<compile_context>
chip_gen: v7x
topology: tpu7x:2x2x1
jax: 0.10.2.dev20260603
libtpu: 0.0.44.dev20260713+nightly
codegen_flags: <defaults>
</compile_context>

<pallas_src>
import jax
import jax.numpy as jnp
from jax import lax
from jax.experimental import pallas as pl
from jax.experimental.pallas import tpu as pltpu
from jax.experimental.pallas import tpu_sc as plsc

L1, L2, ORBIT, DIM = 4, 3, 2, 2
N_SITES = L1 * L2 * ORBIT
TABLE_SIZE = DIM ** N_SITES

NC, NS, LANES = 2, 16, 16
NW = NC * NS
BATCH = 16384
B_PER_W = BATCH // NW
CHUNK = 128
N_CHUNK = B_PER_W // CHUNK
N_GROUPS = B_PER_W // LANES
HALF_SITES = N_SITES // 2


def _site(j):
    return (j // 6, (j % 6) // 2, j % 2)


def _wf_body(xr_hbm, real_hbm, imag_hbm, out_r_hbm, out_i_hbm,
             x_v, idx_v, outr_v, outi_v, sem_x, sem_r, sem_i):
    wid = lax.axis_index("s") * NC + lax.axis_index("c")
    base = wid * B_PER_W
    bsl = pl.ds(base, B_PER_W)

    cp1 = pltpu.async_copy(xr_hbm.at[pl.ds(0, 2), :, :, bsl],
                           x_v.at[pl.ds(0, 2)], sem_x)
    cp2 = pltpu.async_copy(xr_hbm.at[pl.ds(2, 2), :, :, bsl],
                           x_v.at[pl.ds(2, 2)], sem_x)
    cp1.wait()

    def body1(g, carry):
        start = g * LANES
        acc = jnp.zeros((LANES,), jnp.int32)
        for j in range(HALF_SITES):
            a, c, d = _site(j)
            bits = x_v[a, c, d, pl.ds(start, LANES)]
            acc = acc + jnp.left_shift(bits, N_SITES - 1 - j)
        idx_v[pl.ds(start, LANES)] = acc
        return carry

    lax.fori_loop(0, N_GROUPS, body1, 0)
    cp2.wait()

    g_copies = []
    for ch in range(N_CHUNK):
        def body2(g, carry, ch=ch):
            start = ch * CHUNK + g * LANES
            acc = idx_v[pl.ds(start, LANES)]
            for j in range(HALF_SITES, N_SITES):
                a, c, d = _site(j)
                bits = x_v[a, c, d, pl.ds(start, LANES)]
                acc = acc + jnp.left_shift(bits, N_SITES - 1 - j)
            idx_v[pl.ds(start, LANES)] = acc
            return carry

        lax.fori_loop(0, CHUNK // LANES, body2, 0)
        sl = pl.ds(ch * CHUNK, CHUNK)
        g_copies.append(
            pltpu.async_copy(real_hbm.at[idx_v.at[sl]], outr_v.at[sl], sem_r))
        g_copies.append(
            pltpu.async_copy(imag_hbm.at[idx_v.at[sl]], outi_v.at[sl], sem_i))
    for cp in g_copies:
        cp.wait()

    pltpu.sync_copy(outr_v, out_r_hbm.at[bsl])
    pltpu.sync_copy(outi_v, out_i_hbm.at[bsl])


_wf = pl.kernel(
    _wf_body,
    mesh=plsc.VectorSubcoreMesh(core_axis_name="c", subcore_axis_name="s"),
    out_type=[
        jax.ShapeDtypeStruct((BATCH,), jnp.float32),
        jax.ShapeDtypeStruct((BATCH,), jnp.float32),
    ],
    scratch_types=[
        pltpu.VMEM((L1, L2, ORBIT, B_PER_W), jnp.int32),
        pltpu.VMEM((B_PER_W,), jnp.int32),
        pltpu.VMEM((B_PER_W,), jnp.float32),
        pltpu.VMEM((B_PER_W,), jnp.float32),
        pltpu.SemaphoreType.DMA,
        pltpu.SemaphoreType.DMA,
        pltpu.SemaphoreType.DMA,
    ],
)


def kernel(x, wave_real, wave_imag):
    lead = x.shape[:-3]
    xr = x.reshape((-1,) + x.shape[-3:]).transpose(1, 2, 3, 0)
    out_r, out_i = _wf(xr, wave_real, wave_imag)
    one = jnp.float32(1) + wave_real[0] * jnp.float32(0)
    return lax.complex(out_r * one, out_i * one).reshape(lead)

# --- scband reference (transcript-rebuilt; emitter-appended) ---
"""Pipeline reference for scband-complex-wave-function-47321949667598 (READ-ONLY COPY).

The authoritative reference and input builder live on the scoring server;
editing this copy changes nothing except your own understanding.
"""

import jax, jax.numpy as jnp
import numpy as np

L1, L2, ORBIT, DIM = 4, 3, 2, 2
N_SITES = L1 * L2 * ORBIT  # 24
TABLE_SIZE = DIM ** N_SITES  # 2**24 = 16777216


def setup_inputs(seed: int = 0) -> dict:
    key = jax.random.key(seed)
    k1, k2, k3 = jax.random.split(key, 3)
    batch = 16384
    x = jax.random.randint(k1, (batch, L1, L2, ORBIT), 0, DIM, dtype=jnp.int32)
    # learned parameters: flat views of the dimension^(L1*L2*orbit) wave-function tensors
    wave_real = jax.random.normal(k2, (TABLE_SIZE,), dtype=jnp.float32)
    wave_imag = jax.random.normal(k3, (TABLE_SIZE,), dtype=jnp.float32)
    return {"x": x, "wave_real": wave_real, "wave_imag": wave_imag}


def reference(x, wave_real, wave_imag):
    # x: [..., L1, L2, orbit] integer configuration, values in [0, DIM)
    # flatten(start_dim=-3)
    xf = x.reshape(x.shape[:-3] + (N_SITES,))
    # strides of a contiguous tensor with shape (DIM,)*N_SITES: stride_i = DIM^(N_SITES-1-i)
    strides = (DIM ** jnp.arange(N_SITES - 1, -1, -1)).astype(jnp.int32)
    index = (xf * strides).sum(axis=-1)
    real = jnp.take(wave_real, index, axis=0)
    imag = jnp.take(wave_imag, index, axis=0)
    return real + 1j * imag

if __name__ == "__main__":
    import jax
    _d = setup_inputs()
    print(jax.jit(kernel)(*tuple(_d.values())))

</pallas_src>

<mosaic_0001>
#map = affine_map<(d0, d1) -> (0, 0, 0, 0)>
#map1 = affine_map<(d0, d1) -> (0)>
module attributes {stable_mosaic.version = 14 : i64} {
  func.func @_wf_body(%arg0: i32, %arg1: i32, %arg2: memref<4x3x2x16384xi32, #tpu.memory_space<hbm>>, %arg3: memref<16777216xf32, #tpu.memory_space<hbm>>, %arg4: memref<16777216xf32, #tpu.memory_space<hbm>>, %arg5: memref<16384xf32, #tpu.memory_space<hbm>>, %arg6: memref<16384xf32, #tpu.memory_space<hbm>>, %arg7: memref<4x3x2x512xi32, #tpu.memory_space<vmem>>, %arg8: memref<512xi32, #tpu.memory_space<vmem>>, %arg9: memref<512xf32, #tpu.memory_space<vmem>>, %arg10: memref<512xf32, #tpu.memory_space<vmem>>, %arg11: memref<!tpu.dma_semaphore, #tpu.memory_space<semaphore_mem>>, %arg12: memref<!tpu.dma_semaphore, #tpu.memory_space<semaphore_mem>>, %arg13: memref<!tpu.dma_semaphore, #tpu.memory_space<semaphore_mem>>) attributes {dimension_semantics = [#tpu.dimension_semantics<core_parallel>, #tpu.dimension_semantics<subcore_parallel>], iteration_bounds = array<i64: 2, 16>, scalar_prefetch = 0 : i64, scratch_operands = 7 : i64, tpu.core_type = #tpu.core_type<sc_vector_subcore>, window_params = [{transform_indices = #map}, {transform_indices = #map1}, {transform_indices = #map1}, {transform_indices = #map1}, {transform_indices = #map1}]} {
    %mul3A = arith.constant 2 : i32
    %mul3A_0 = arith.muli %arg1, %mul3A : i32
    %add3A = arith.addi %mul3A_0, %arg0 : i32
    %mul3A_1 = arith.constant 512 : i32
    %mul3A_2 = arith.muli %add3A, %mul3A_1 : i32
    %dma_start3A = arith.constant 0 : i32
    %dma_start3A_3 = arith.constant 0 : i32
    %dma_start3A_4 = arith.constant 0 : i32
    %dma_start3A_5 = arith.constant 0 : i32
    %dma_start3A_6 = tpu.memref_slice %arg7[%dma_start3A, %dma_start3A_3, %dma_start3A_4, %dma_start3A_5] : memref<4x3x2x512xi32, #tpu.memory_space<vmem>> -> memref<2x3x2x512xi32, #tpu.memory_space<vmem>>
    %dma_start3A_7 = arith.constant 0 : i32
    %dma_start3A_8 = arith.constant 0 : i32
    %dma_start3A_9 = arith.constant 0 : i32
    %dma_start3A_10 = tpu.memref_slice %arg2[%dma_start3A_7, %dma_start3A_8, %dma_start3A_9, %mul3A_2] : memref<4x3x2x16384xi32, #tpu.memory_space<hbm>> -> memref<2x3x2x512xi32, #tpu.memory_space<hbm>>
    %dma_start3A_11 = arith.constant 0 : i32
    %dma_start3A_12 = arith.constant 0 : i32
    %dma_start3A_13 = arith.constant 0 : i32
    %dma_start3A_14 = arith.constant 0 : i32
    %dma_start3A_15 = tpu.memref_slice %arg7[%dma_start3A_11, %dma_start3A_12, %dma_start3A_13, %dma_start3A_14] : memref<4x3x2x512xi32, #tpu.memory_space<vmem>> -> memref<2x3x2x512xi32, #tpu.memory_space<vmem>>
    %dma_start3A_16 = arith.constant 0 : i32
    %dma_start3A_17 = arith.constant 0 : i32
    %dma_start3A_18 = arith.constant 0 : i32
    %dma_start3A_19 = tpu.memref_slice %arg2[%dma_start3A_16, %dma_start3A_17, %dma_start3A_18, %mul3A_2] : memref<4x3x2x16384xi32, #tpu.memory_space<hbm>> -> memref<2x3x2x512xi32, #tpu.memory_space<hbm>>
    tpu.enqueue_dma source(%dma_start3A_19 : memref<2x3x2x512xi32, #tpu.memory_space<hbm>>) target(%dma_start3A_15 : memref<2x3x2x512xi32, #tpu.memory_space<vmem>>) target_semaphore(%arg11 : memref<!tpu.dma_semaphore, #tpu.memory_space<semaphore_mem>>)
    %dma_start3A_20 = arith.constant 2 : i32
    %dma_start3A_21 = arith.constant 0 : i32
    %dma_start3A_22 = arith.constant 0 : i32
    %dma_start3A_23 = arith.constant 0 : i32
    %dma_start3A_24 = tpu.memref_slice %arg7[%dma_start3A_20, %dma_start3A_21, %dma_start3A_22, %dma_start3A_23] : memref<4x3x2x512xi32, #tpu.memory_space<vmem>> -> memref<2x3x2x512xi32, #tpu.memory_space<vmem>>
    %dma_start3A_25 = arith.constant 2 : i32
    %dma_start3A_26 = arith.constant 0 : i32
    %dma_start3A_27 = arith.constant 0 : i32
    %dma_start3A_28 = tpu.memref_slice %arg2[%dma_start3A_25, %dma_start3A_26, %dma_start3A_27, %mul3A_2] : memref<4x3x2x16384xi32, #tpu.memory_space<hbm>> -> memref<2x3x2x512xi32, #tpu.memory_space<hbm>>
    %dma_start3A_29 = arith.constant 2 : i32
    %dma_start3A_30 = arith.constant 0 : i32
    %dma_start3A_31 = arith.constant 0 : i32
    %dma_start3A_32 = arith.constant 0 : i32
    %dma_start3A_33 = tpu.memref_slice %arg7[%dma_start3A_29, %dma_start3A_30, %dma_start3A_31, %dma_start3A_32] : memref<4x3x2x512xi32, #tpu.memory_space<vmem>> -> memref<2x3x2x512xi32, #tpu.memory_space<vmem>>
    %dma_start3A_34 = arith.constant 2 : i32
    %dma_start3A_35 = arith.constant 0 : i32
    %dma_start3A_36 = arith.constant 0 : i32
    %dma_start3A_37 = tpu.memref_slice %arg2[%dma_start3A_34, %dma_start3A_35, %dma_start3A_36, %mul3A_2] : memref<4x3x2x16384xi32, #tpu.memory_space<hbm>> -> memref<2x3x2x512xi32, #tpu.memory_space<hbm>>
    tpu.enqueue_dma source(%dma_start3A_37 : memref<2x3x2x512xi32, #tpu.memory_space<hbm>>) target(%dma_start3A_33 : memref<2x3x2x512xi32, #tpu.memory_space<vmem>>) target_semaphore(%arg11 : memref<!tpu.dma_semaphore, #tpu.memory_space<semaphore_mem>>)
    %dma_wait3A = arith.constant 0 : i32
    %dma_wait3A_38 = arith.constant 0 : i32
    %dma_wait3A_39 = arith.constant 0 : i32
    %dma_wait3A_40 = arith.constant 0 : i32
    %dma_wait3A_41 = tpu.memref_slice %arg7[%dma_wait3A, %dma_wait3A_38, %dma_wait3A_39, %dma_wait3A_40] : memref<4x3x2x512xi32, #tpu.memory_space<vmem>> -> memref<2x3x2x512xi32, #tpu.memory_space<vmem>>
    %dma_wait3A_42 = arith.constant 0 : i32
    %dma_wait3A_43 = arith.constant 0 : i32
    %dma_wait3A_44 = arith.constant 0 : i32
    %dma_wait3A_45 = tpu.memref_slice %arg2[%dma_wait3A_42, %dma_wait3A_43, %dma_wait3A_44, %mul3A_2] : memref<4x3x2x16384xi32, #tpu.memory_space<hbm>> -> memref<2x3x2x512xi32, #tpu.memory_space<hbm>>
    %dma_wait3A_46 = arith.constant 0 : i32
    %dma_wait3A_47 = arith.constant 0 : i32
    %dma_wait3A_48 = arith.constant 0 : i32
    %dma_wait3A_49 = arith.constant 0 : i32
    %dma_wait3A_50 = tpu.memref_slice %arg7[%dma_wait3A_46, %dma_wait3A_47, %dma_wait3A_48, %dma_wait3A_49] : memref<4x3x2x512xi32, #tpu.memory_space<vmem>> -> memref<2x3x2x512xi32, #tpu.memory_space<vmem>>
    %dma_wait3A_51 = arith.constant 0 : i32
    %dma_wait3A_52 = arith.constant 0 : i32
    %dma_wait3A_53 = arith.constant 0 : i32
    %dma_wait3A_54 = tpu.memref_slice %arg2[%dma_wait3A_51, %dma_wait3A_52, %dma_wait3A_53, %mul3A_2] : memref<4x3x2x16384xi32, #tpu.memory_space<hbm>> -> memref<2x3x2x512xi32, #tpu.memory_space<hbm>>
    tpu.wait_dma2 semaphore(%arg11 : memref<!tpu.dma_semaphore, #tpu.memory_space<semaphore_mem>>) src(%dma_wait3A_54 : memref<2x3x2x512xi32, #tpu.memory_space<hbm>>) dst(%dma_wait3A_50 : memref<2x3x2x512xi32, #tpu.memory_space<vmem>>)
    %scan3A = arith.constant 0 : i32
    %scan3A_55 = arith.constant 0 : i32
    %scan3A_56 = arith.constant 32 : i32
    %scan3A_57 = arith.addi %scan3A_55, %scan3A_56 : i32
    %scan3A_58 = arith.constant 1 : i32
    scf.for %scan3A_198 = %scan3A_55 to %scan3A_57 step %scan3A_58  : i32 {
      %mul3A_199 = arith.constant 16 : i32
      %mul3A_200 = arith.muli %scan3A_198, %mul3A_199 : i32
      %broadcast_in_dim3A = arith.constant 0 : i32
      %broadcast_in_dim3A_201 = vector.broadcast %broadcast_in_dim3A : i32 to vector<16xi32>
      %get3A = arith.constant 0 : i32
      %get3A_202 = arith.constant 0 : i32
      %get3A_203 = arith.constant 0 : i32
      %get3A_204 = arith.index_cast %get3A : i32 to index
      %get3A_205 = arith.index_cast %get3A_202 : i32 to index
      %get3A_206 = arith.index_cast %get3A_203 : i32 to index
      %get3A_207 = arith.index_cast %mul3A_200 : i32 to index
      %get3A_208 = tpu.vector_load %arg7[%get3A_204, %get3A_205, %get3A_206, %get3A_207] {strides = array<i32>} : memref<4x3x2x512xi32, #tpu.memory_space<vmem>>, vector<1x1x1x16xi32>,
      %get3A_209 = vector.shape_cast %get3A_208 : vector<1x1x1x16xi32> to vector<16xi32>
      %shift_left3A = arith.constant 23 : i32
      %shift_left3A_210 = vector.broadcast %shift_left3A : i32 to vector<16xi32>
      %shift_left3A_211 = arith.shli %get3A_209, %shift_left3A_210 : vector<16xi32>
      %add3A_212 = arith.addi %broadcast_in_dim3A_201, %shift_left3A_211 : vector<16xi32>
      %get3A_213 = arith.constant 0 : i32
      %get3A_214 = arith.constant 0 : i32
      %get3A_215 = arith.constant 1 : i32
      %get3A_216 = arith.index_cast %get3A_213 : i32 to index
      %get3A_217 = arith.index_cast %get3A_214 : i32 to index
      %get3A_218 = arith.index_cast %get3A_215 : i32 to index
      %get3A_219 = arith.index_cast %mul3A_200 : i32 to index
      %get3A_220 = tpu.vector_load %arg7[%get3A_216, %get3A_217, %get3A_218, %get3A_219] {strides = array<i32>} : memref<4x3x2x512xi32, #tpu.memory_space<vmem>>, vector<1x1x1x16xi32>,
      %get3A_221 = vector.shape_cast %get3A_220 : vector<1x1x1x16xi32> to vector<16xi32>
      %shift_left3A_222 = arith.constant 22 : i32
      %shift_left3A_223 = vector.broadcast %shift_left3A_222 : i32 to vector<16xi32>
      %shift_left3A_224 = arith.shli %get3A_221, %shift_left3A_223 : vector<16xi32>
      %add3A_225 = arith.addi %add3A_212, %shift_left3A_224 : vector<16xi32>
      %get3A_226 = arith.constant 0 : i32
      %get3A_227 = arith.constant 1 : i32
      %get3A_228 = arith.constant 0 : i32
      %get3A_229 = arith.index_cast %get3A_226 : i32 to index
      %get3A_230 = arith.index_cast %get3A_227 : i32 to index
      %get3A_231 = arith.index_cast %get3A_228 : i32 to index
      %get3A_232 = arith.index_cast %mul3A_200 : i32 to index
      %get3A_233 = tpu.vector_load %arg7[%get3A_229, %get3A_230, %get3A_231, %get3A_232] {strides = array<i32>} : memref<4x3x2x512xi32, #tpu.memory_space<vmem>>, vector<1x1x1x16xi32>,
      %get3A_234 = vector.shape_cast %get3A_233 : vector<1x1x1x16xi32> to vector<16xi32>
      %shift_left3A_235 = arith.constant 21 : i32
      %shift_left3A_236 = vector.broadcast %shift_left3A_235 : i32 to vector<16xi32>
      %shift_left3A_237 = arith.shli %get3A_234, %shift_left3A_236 : vector<16xi32>
      %add3A_238 = arith.addi %add3A_225, %shift_left3A_237 : vector<16xi32>
      %get3A_239 = arith.constant 0 : i32
      %get3A_240 = arith.constant 1 : i32
      %get3A_241 = arith.constant 1 : i32
      %get3A_242 = arith.index_cast %get3A_239 : i32 to index
      %get3A_243 = arith.index_cast %get3A_240 : i32 to index
      %get3A_244 = arith.index_cast %get3A_241 : i32 to index
      %get3A_245 = arith.index_cast %mul3A_200 : i32 to index
      %get3A_246 = tpu.vector_load %arg7[%get3A_242, %get3A_243, %get3A_244, %get3A_245] {strides = array<i32>} : memref<4x3x2x512xi32, #tpu.memory_space<vmem>>, vector<1x1x1x16xi32>,
      %get3A_247 = vector.shape_cast %get3A_246 : vector<1x1x1x16xi32> to vector<16xi32>
      %shift_left3A_248 = arith.constant 20 : i32
      %shift_left3A_249 = vector.broadcast %shift_left3A_248 : i32 to vector<16xi32>
      %shift_left3A_250 = arith.shli %get3A_247, %shift_left3A_249 : vector<16xi32>
      %add3A_251 = arith.addi %add3A_238, %shift_left3A_250 : vector<16xi32>
      %get3A_252 = arith.constant 0 : i32
      %get3A_253 = arith.constant 2 : i32
      %get3A_254 = arith.constant 0 : i32
      %get3A_255 = arith.index_cast %get3A_252 : i32 to index
      %get3A_256 = arith.index_cast %get3A_253 : i32 to index
      %get3A_257 = arith.index_cast %get3A_254 : i32 to index
      %get3A_258 = arith.index_cast %mul3A_200 : i32 to index
      %get3A_259 = tpu.vector_load %arg7[%get3A_255, %get3A_256, %get3A_257, %get3A_258] {strides = array<i32>} : memref<4x3x2x512xi32, #tpu.memory_space<vmem>>, vector<1x1x1x16xi32>,
      %get3A_260 = vector.shape_cast %get3A_259 : vector<1x1x1x16xi32> to vector<16xi32>
      %shift_left3A_261 = arith.constant 19 : i32
      %shift_left3A_262 = vector.broadcast %shift_left3A_261 : i32 to vector<16xi32>
      %shift_left3A_263 = arith.shli %get3A_260, %shift_left3A_262 : vector<16xi32>
      %add3A_264 = arith.addi %add3A_251, %shift_left3A_263 : vector<16xi32>
      %get3A_265 = arith.constant 0 : i32
      %get3A_266 = arith.constant 2 : i32
      %get3A_267 = arith.constant 1 : i32
      %get3A_268 = arith.index_cast %get3A_265 : i32 to index
      %get3A_269 = arith.index_cast %get3A_266 : i32 to index
      %get3A_270 = arith.index_cast %get3A_267 : i32 to index
      %get3A_271 = arith.index_cast %mul3A_200 : i32 to index
      %get3A_272 = tpu.vector_load %arg7[%get3A_268, %get3A_269, %get3A_270, %get3A_271] {strides = array<i32>} : memref<4x3x2x512xi32, #tpu.memory_space<vmem>>, vector<1x1x1x16xi32>,
      %get3A_273 = vector.shape_cast %get3A_272 : vector<1x1x1x16xi32> to vector<16xi32>
      %shift_left3A_274 = arith.constant 18 : i32
      %shift_left3A_275 = vector.broadcast %shift_left3A_274 : i32 to vector<16xi32>
      %shift_left3A_276 = arith.shli %get3A_273, %shift_left3A_275 : vector<16xi32>
      %add3A_277 = arith.addi %add3A_264, %shift_left3A_276 : vector<16xi32>
      %get3A_278 = arith.constant 1 : i32
      %get3A_279 = arith.constant 0 : i32
      %get3A_280 = arith.constant 0 : i32
      %get3A_281 = arith.index_cast %get3A_278 : i32 to index
      %get3A_282 = arith.index_cast %get3A_279 : i32 to index
      %get3A_283 = arith.index_cast %get3A_280 : i32 to index
      %get3A_284 = arith.index_cast %mul3A_200 : i32 to index
      %get3A_285 = tpu.vector_load %arg7[%get3A_281, %get3A_282, %get3A_283, %get3A_284] {strides = array<i32>} : memref<4x3x2x512xi32, #tpu.memory_space<vmem>>, vector<1x1x1x16xi32>,
      %get3A_286 = vector.shape_cast %get3A_285 : vector<1x1x1x16xi32> to vector<16xi32>
      %shift_left3A_287 = arith.constant 17 : i32
      %shift_left3A_288 = vector.broadcast %shift_left3A_287 : i32 to vector<16xi32>
      %shift_left3A_289 = arith.shli %get3A_286, %shift_left3A_288 : vector<16xi32>
      %add3A_290 = arith.addi %add3A_277, %shift_left3A_289 : vector<16xi32>
      %get3A_291 = arith.constant 1 : i32
      %get3A_292 = arith.constant 0 : i32
      %get3A_293 = arith.constant 1 : i32
      %get3A_294 = arith.index_cast %get3A_291 : i32 to index
      %get3A_295 = arith.index_cast %get3A_292 : i32 to index
      %get3A_296 = arith.index_cast %get3A_293 : i32 to index
      %get3A_297 = arith.index_cast %mul3A_200 : i32 to index
      %get3A_298 = tpu.vector_load %arg7[%get3A_294, %get3A_295, %get3A_296, %get3A_297] {strides = array<i32>} : memref<4x3x2x512xi32, #tpu.memory_space<vmem>>, vector<1x1x1x16xi32>,
      %get3A_299 = vector.shape_cast %get3A_298 : vector<1x1x1x16xi32> to vector<16xi32>
      %shift_left3A_300 = arith.constant 16 : i32
      %shift_left3A_301 = vector.broadcast %shift_left3A_300 : i32 to vector<16xi32>
      %shift_left3A_302 = arith.shli %get3A_299, %shift_left3A_301 : vector<16xi32>
      %add3A_303 = arith.addi %add3A_290, %shift_left3A_302 : vector<16xi32>
      %get3A_304 = arith.constant 1 : i32
      %get3A_305 = arith.constant 1 : i32
      %get3A_306 = arith.constant 0 : i32
      %get3A_307 = arith.index_cast %get3A_304 : i32 to index
      %get3A_308 = arith.index_cast %get3A_305 : i32 to index
      %get3A_309 = arith.index_cast %get3A_306 : i32 to index
      %get3A_310 = arith.index_cast %mul3A_200 : i32 to index
      %get3A_311 = tpu.vector_load %arg7[%get3A_307, %get3A_308, %get3A_309, %get3A_310] {strides = array<i32>} : memref<4x3x2x512xi32, #tpu.memory_space<vmem>>, vector<1x1x1x16xi32>,
      %get3A_312 = vector.shape_cast %get3A_311 : vector<1x1x1x16xi32> to vector<16xi32>
      %shift_left3A_313 = arith.constant 15 : i32
      %shift_left3A_314 = vector.broadcast %shift_left3A_313 : i32 to vector<16xi32>
      %shift_left3A_315 = arith.shli %get3A_312, %shift_left3A_314 : vector<16xi32>
      %add3A_316 = arith.addi %add3A_303, %shift_left3A_315 : vector<16xi32>
      %get3A_317 = arith.constant 1 : i32
      %get3A_318 = arith.constant 1 : i32
      %get3A_319 = arith.constant 1 : i32
      %get3A_320 = arith.index_cast %get3A_317 : i32 to index
      %get3A_321 = arith.index_cast %get3A_318 : i32 to index
      %get3A_322 = arith.index_cast %get3A_319 : i32 to index
      %get3A_323 = arith.index_cast %mul3A_200 : i32 to index
      %get3A_324 = tpu.vector_load %arg7[%get3A_320, %get3A_321, %get3A_322, %get3A_323] {strides = array<i32>} : memref<4x3x2x512xi32, #tpu.memory_space<vmem>>, vector<1x1x1x16xi32>,
      %get3A_325 = vector.shape_cast %get3A_324 : vector<1x1x1x16xi32> to vector<16xi32>
      %shift_left3A_326 = arith.constant 14 : i32
      %shift_left3A_327 = vector.broadcast %shift_left3A_326 : i32 to vector<16xi32>
      %shift_left3A_328 = arith.shli %get3A_325, %shift_left3A_327 : vector<16xi32>
      %add3A_329 = arith.addi %add3A_316, %shift_left3A_328 : vector<16xi32>
      %get3A_330 = arith.constant 1 : i32
      %get3A_331 = arith.constant 2 : i32
      %get3A_332 = arith.constant 0 : i32
      %get3A_333 = arith.index_cast %get3A_330 : i32 to index
      %get3A_334 = arith.index_cast %get3A_331 : i32 to index
      %get3A_335 = arith.index_cast %get3A_332 : i32 to index
      %get3A_336 = arith.index_cast %mul3A_200 : i32 to index
      %get3A_337 = tpu.vector_load %arg7[%get3A_333, %get3A_334, %get3A_335, %get3A_336] {strides = array<i32>} : memref<4x3x2x512xi32, #tpu.memory_space<vmem>>, vector<1x1x1x16xi32>,
      %get3A_338 = vector.shape_cast %get3A_337 : vector<1x1x1x16xi32> to vector<16xi32>
      %shift_left3A_339 = arith.constant 13 : i32
      %shift_left3A_340 = vector.broadcast %shift_left3A_339 : i32 to vector<16xi32>
      %shift_left3A_341 = arith.shli %get3A_338, %shift_left3A_340 : vector<16xi32>
      %add3A_342 = arith.addi %add3A_329, %shift_left3A_341 : vector<16xi32>
      %get3A_343 = arith.constant 1 : i32
      %get3A_344 = arith.constant 2 : i32
      %get3A_345 = arith.constant 1 : i32
      %get3A_346 = arith.index_cast %get3A_343 : i32 to index
      %get3A_347 = arith.index_cast %get3A_344 : i32 to index
      %get3A_348 = arith.index_cast %get3A_345 : i32 to index
      %get3A_349 = arith.index_cast %mul3A_200 : i32 to index
      %get3A_350 = tpu.vector_load %arg7[%get3A_346, %get3A_347, %get3A_348, %get3A_349] {strides = array<i32>} : memref<4x3x2x512xi32, #tpu.memory_space<vmem>>, vector<1x1x1x16xi32>,
      %get3A_351 = vector.shape_cast %get3A_350 : vector<1x1x1x16xi32> to vector<16xi32>
      %shift_left3A_352 = arith.constant 12 : i32
      %shift_left3A_353 = vector.broadcast %shift_left3A_352 : i32 to vector<16xi32>
      %shift_left3A_354 = arith.shli %get3A_351, %shift_left3A_353 : vector<16xi32>
      %add3A_355 = arith.addi %add3A_342, %shift_left3A_354 : vector<16xi32>
      %swap3A = arith.index_cast %mul3A_200 : i32 to index
      %swap3A_356 = tpu.vector_load %arg8[%swap3A] {strides = array<i32>} : memref<512xi32, #tpu.memory_space<vmem>>, vector<16xi32>,
      %swap3A_357 = vector.shape_cast %swap3A_356 : vector<16xi32> to vector<16xi32>
      %swap3A_358 = vector.shape_cast %add3A_355 : vector<16xi32> to vector<16xi32>
      tpu.vector_store %arg8[%swap3A], %swap3A_358 {strides = array<i32>} : memref<512xi32, #tpu.memory_space<vmem>>, vector<16xi32>,
    }
    %scan3A_59 = arith.constant 32 : i32
    %dma_wait3A_60 = arith.constant 2 : i32
    %dma_wait3A_61 = arith.constant 0 : i32
    %dma_wait3A_62 = arith.constant 0 : i32
    %dma_wait3A_63 = arith.constant 0 : i32
    %dma_wait3A_64 = tpu.memref_slice %arg7[%dma_wait3A_60, %dma_wait3A_61, %dma_wait3A_62, %dma_wait3A_63] : memref<4x3x2x512xi32, #tpu.memory_space<vmem>> -> memref<2x3x2x512xi32, #tpu.memory_space<vmem>>
    %dma_wait3A_65 = arith.constant 2 : i32
    %dma_wait3A_66 = arith.constant 0 : i32
    %dma_wait3A_67 = arith.constant 0 : i32
    %dma_wait3A_68 = tpu.memref_slice %arg2[%dma_wait3A_65, %dma_wait3A_66, %dma_wait3A_67, %mul3A_2] : memref<4x3x2x16384xi32, #tpu.memory_space<hbm>> -> memref<2x3x2x512xi32, #tpu.memory_space<hbm>>
    %dma_wait3A_69 = arith.constant 2 : i32
    %dma_wait3A_70 = arith.constant 0 : i32
    %dma_wait3A_71 = arith.constant 0 : i32
    %dma_wait3A_72 = arith.constant 0 : i32
    %dma_wait3A_73 = tpu.memref_slice %arg7[%dma_wait3A_69, %dma_wait3A_70, %dma_wait3A_71, %dma_wait3A_72] : memref<4x3x2x512xi32, #tpu.memory_space<vmem>> -> memref<2x3x2x512xi32, #tpu.memory_space<vmem>>
    %dma_wait3A_74 = arith.constant 2 : i32
    %dma_wait3A_75 = arith.constant 0 : i32
    %dma_wait3A_76 = arith.constant 0 : i32
    %dma_wait3A_77 = tpu.memref_slice %arg2[%dma_wait3A_74, %dma_wait3A_75, %dma_wait3A_76, %mul3A_2] : memref<4x3x2x16384xi32, #tpu.memory_space<hbm>> -> memref<2x3x2x512xi32, #tpu.memory_space<hbm>>
    tpu.wait_dma2 semaphore(%arg11 : memref<!tpu.dma_semaphore, #tpu.memory_space<semaphore_mem>>) src(%dma_wait3A_77 : memref<2x3x2x512xi32, #tpu.memory_space<hbm>>) dst(%dma_wait3A_73 : memref<2x3x2x512xi32, #tpu.memory_space<vmem>>)
    %scan3A_78 = arith.constant 0 : i32
    %scan3A_79 = arith.constant 0 : i32
    %scan3A_80 = arith.constant 8 : i32
    %scan3A_81 = arith.addi %scan3A_79, %scan3A_80 : i32
    %scan3A_82 = arith.constant 1 : i32
    scf.for %scan3A_198 = %scan3A_79 to %scan3A_81 step %scan3A_82  : i32 {
      %mul3A_199 = arith.constant 16 : i32
      %mul3A_200 = arith.muli %scan3A_198, %mul3A_199 : i32
      %add3A_201 = arith.constant 0 : i32
      %add3A_202 = arith.addi %add3A_201, %mul3A_200 : i32
      %get3A = arith.index_cast %add3A_202 : i32 to index
      %get3A_203 = tpu.vector_load %arg8[%get3A] {strides = array<i32>} : memref<512xi32, #tpu.memory_space<vmem>>, vector<16xi32>,
      %get3A_204 = vector.shape_cast %get3A_203 : vector<16xi32> to vector<16xi32>
      %get3A_205 = arith.constant 2 : i32
      %get3A_206 = arith.constant 0 : i32
      %get3A_207 = arith.constant 0 : i32
      %get3A_208 = arith.index_cast %get3A_205 : i32 to index
      %get3A_209 = arith.index_cast %get3A_206 : i32 to index
      %get3A_210 = arith.index_cast %get3A_207 : i32 to index
      %get3A_211 = arith.index_cast %add3A_202 : i32 to index
      %get3A_212 = tpu.vector_load %arg7[%get3A_208, %get3A_209, %get3A_210, %get3A_211] {strides = array<i32>} : memref<4x3x2x512xi32, #tpu.memory_space<vmem>>, vector<1x1x1x16xi32>,
      %get3A_213 = vector.shape_cast %get3A_212 : vector<1x1x1x16xi32> to vector<16xi32>
      %shift_left3A = arith.constant 11 : i32
      %shift_left3A_214 = vector.broadcast %shift_left3A : i32 to vector<16xi32>
      %shift_left3A_215 = arith.shli %get3A_213, %shift_left3A_214 : vector<16xi32>
      %add3A_216 = arith.addi %get3A_204, %shift_left3A_215 : vector<16xi32>
      %get3A_217 = arith.constant 2 : i32
      %get3A_218 = arith.constant 0 : i32
      %get3A_219 = arith.constant 1 : i32
      %get3A_220 = arith.index_cast %get3A_217 : i32 to index
      %get3A_221 = arith.index_cast %get3A_218 : i32 to index
      %get3A_222 = arith.index_cast %get3A_219 : i32 to index
      %get3A_223 = arith.index_cast %add3A_202 : i32 to index
      %get3A_224 = tpu.vector_load %arg7[%get3A_220, %get3A_221, %get3A_222, %get3A_223] {strides = array<i32>} : memref<4x3x2x512xi32, #tpu.memory_space<vmem>>, vector<1x1x1x16xi32>,
      %get3A_225 = vector.shape_cast %get3A_224 : vector<1x1x1x16xi32> to vector<16xi32>
      %shift_left3A_226 = arith.constant 10 : i32
      %shift_left3A_227 = vector.broadcast %shift_left3A_226 : i32 to vector<16xi32>
      %shift_left3A_228 = arith.shli %get3A_225, %shift_left3A_227 : vector<16xi32>
      %add3A_229 = arith.addi %add3A_216, %shift_left3A_228 : vector<16xi32>
      %get3A_230 = arith.constant 2 : i32
      %get3A_231 = arith.constant 1 : i32
      %get3A_232 = arith.constant 0 : i32
      %get3A_233 = arith.index_cast %get3A_230 : i32 to index
      %get3A_234 = arith.index_cast %get3A_231 : i32 to index
      %get3A_235 = arith.index_cast %get3A_232 : i32 to index
      %get3A_236 = arith.index_cast %add3A_202 : i32 to index
      %get3A_237 = tpu.vector_load %arg7[%get3A_233, %get3A_234, %get3A_235, %get3A_236] {strides = array<i32>} : memref<4x3x2x512xi32, #tpu.memory_space<vmem>>, vector<1x1x1x16xi32>,
      %get3A_238 = vector.shape_cast %get3A_237 : vector<1x1x1x16xi32> to vector<16xi32>
      %shift_left3A_239 = arith.constant 9 : i32
      %shift_left3A_240 = vector.broadcast %shift_left3A_239 : i32 to vector<16xi32>
      %shift_left3A_241 = arith.shli %get3A_238, %shift_left3A_240 : vector<16xi32>
      %add3A_242 = arith.addi %add3A_229, %shift_left3A_241 : vector<16xi32>
      %get3A_243 = arith.constant 2 : i32
      %get3A_244 = arith.constant 1 : i32
      %get3A_245 = arith.constant 1 : i32
      %get3A_246 = arith.index_cast %get3A_243 : i32 to index
      %get3A_247 = arith.index_cast %get3A_244 : i32 to index
      %get3A_248 = arith.index_cast %get3A_245 : i32 to index
      %get3A_249 = arith.index_cast %add3A_202 : i32 to index
      %get3A_250 = tpu.vector_load %arg7[%get3A_246, %get3A_247, %get3A_248, %get3A_249] {strides = array<i32>} : memref<4x3x2x512xi32, #tpu.memory_space<vmem>>, vector<1x1x1x16xi32>,
      %get3A_251 = vector.shape_cast %get3A_250 : vector<1x1x1x16xi32> to vector<16xi32>
      %shift_left3A_252 = arith.constant 8 : i32
      %shift_left3A_253 = vector.broadcast %shift_left3A_252 : i32 to vector<16xi32>
      %shift_left3A_254 = arith.shli %get3A_251, %shift_left3A_253 : vector<16xi32>
      %add3A_255 = arith.addi %add3A_242, %shift_left3A_254 : vector<16xi32>
      %get3A_256 = arith.constant 2 : i32
      %get3A_257 = arith.constant 2 : i32
      %get3A_258 = arith.constant 0 : i32
      %get3A_259 = arith.index_cast %get3A_256 : i32 to index
      %get3A_260 = arith.index_cast %get3A_257 : i32 to index
      %get3A_261 = arith.index_cast %get3A_258 : i32 to index
      %get3A_262 = arith.index_cast %add3A_202 : i32 to index
      %get3A_263 = tpu.vector_load %arg7[%get3A_259, %get3A_260, %get3A_261, %get3A_262] {strides = array<i32>} : memref<4x3x2x512xi32, #tpu.memory_space<vmem>>, vector<1x1x1x16xi32>,
      %get3A_264 = vector.shape_cast %get3A_263 : vector<1x1x1x16xi32> to vector<16xi32>
      %shift_left3A_265 = arith.constant 7 : i32
      %shift_left3A_266 = vector.broadcast %shift_left3A_265 : i32 to vector<16xi32>
      %shift_left3A_267 = arith.shli %get3A_264, %shift_left3A_266 : vector<16xi32>
      %add3A_268 = arith.addi %add3A_255, %shift_left3A_267 : vector<16xi32>
      %get3A_269 = arith.constant 2 : i32
      %get3A_270 = arith.constant 2 : i32
      %get3A_271 = arith.constant 1 : i32
      %get3A_272 = arith.index_cast %get3A_269 : i32 to index
      %get3A_273 = arith.index_cast %get3A_270 : i32 to index
      %get3A_274 = arith.index_cast %get3A_271 : i32 to index
      %get3A_275 = arith.index_cast %add3A_202 : i32 to index
      %get3A_276 = tpu.vector_load %arg7[%get3A_272, %get3A_273, %get3A_274, %get3A_275] {strides = array<i32>} : memref<4x3x2x512xi32, #tpu.memory_space<vmem>>, vector<1x1x1x16xi32>,
      %get3A_277 = vector.shape_cast %get3A_276 : vector<1x1x1x16xi32> to vector<16xi32>
      %shift_left3A_278 = arith.constant 6 : i32
      %shift_left3A_279 = vector.broadcast %shift_left3A_278 : i32 to vector<16xi32>
      %shift_left3A_280 = arith.shli %get3A_277, %shift_left3A_279 : vector<16xi32>
      %add3A_281 = arith.addi %add3A_268, %shift_left3A_280 : vector<16xi32>
      %get3A_282 = arith.constant 3 : i32
      %get3A_283 = arith.constant 0 : i32
      %get3A_284 = arith.constant 0 : i32
      %get3A_285 = arith.index_cast %get3A_282 : i32 to index
      %get3A_286 = arith.index_cast %get3A_283 : i32 to index
      %get3A_287 = arith.index_cast %get3A_284 : i32 to index
      %get3A_288 = arith.index_cast %add3A_202 : i32 to index
      %get3A_289 = tpu.vector_load %arg7[%get3A_285, %get3A_286, %get3A_287, %get3A_288] {strides = array<i32>} : memref<4x3x2x512xi32, #tpu.memory_space<vmem>>, vector<1x1x1x16xi32>,
      %get3A_290 = vector.shape_cast %get3A_289 : vector<1x1x1x16xi32> to vector<16xi32>
      %shift_left3A_291 = arith.constant 5 : i32
      %shift_left3A_292 = vector.broadcast %shift_left3A_291 : i32 to vector<16xi32>
      %shift_left3A_293 = arith.shli %get3A_290, %shift_left3A_292 : vector<16xi32>
      %add3A_294 = arith.addi %add3A_281, %shift_left3A_293 : vector<16xi32>
      %get3A_295 = arith.constant 3 : i32
      %get3A_296 = arith.constant 0 : i32
      %get3A_297 = arith.constant 1 : i32
      %get3A_298 = arith.index_cast %get3A_295 : i32 to index
      %get3A_299 = arith.index_cast %get3A_296 : i32 to index
      %get3A_300 = arith.index_cast %get3A_297 : i32 to index
      %get3A_301 = arith.index_cast %add3A_202 : i32 to index
      %get3A_302 = tpu.vector_load %arg7[%get3A_298, %get3A_299, %get3A_300, %get3A_301] {strides = array<i32>} : memref<4x3x2x512xi32, #tpu.memory_space<vmem>>, vector<1x1x1x16xi32>,
      %get3A_303 = vector.shape_cast %get3A_302 : vector<1x1x1x16xi32> to vector<16xi32>
      %shift_left3A_304 = arith.constant 4 : i32
      %shift_left3A_305 = vector.broadcast %shift_left3A_304 : i32 to vector<16xi32>
      %shift_left3A_306 = arith.shli %get3A_303, %shift_left3A_305 : vector<16xi32>
      %add3A_307 = arith.addi %add3A_294, %shift_left3A_306 : vector<16xi32>
      %get3A_308 = arith.constant 3 : i32
      %get3A_309 = arith.constant 1 : i32
      %get3A_310 = arith.constant 0 : i32
      %get3A_311 = arith.index_cast %get3A_308 : i32 to index
      %get3A_312 = arith.index_cast %get3A_309 : i32 to index
      %get3A_313 = arith.index_cast %get3A_310 : i32 to index
      %get3A_314 = arith.index_cast %add3A_202 : i32 to index
      %get3A_315 = tpu.vector_load %arg7[%get3A_311, %get3A_312, %get3A_313, %get3A_314] {strides = array<i32>} : memref<4x3x2x512xi32, #tpu.memory_space<vmem>>, vector<1x1x1x16xi32>,
      %get3A_316 = vector.shape_cast %get3A_315 : vector<1x1x1x16xi32> to vector<16xi32>
      %shift_left3A_317 = arith.constant 3 : i32
      %shift_left3A_318 = vector.broadcast %shift_left3A_317 : i32 to vector<16xi32>
      %shift_left3A_319 = arith.shli %get3A_316, %shift_left3A_318 : vector<16xi32>
      %add3A_320 = arith.addi %add3A_307, %shift_left3A_319 : vector<16xi32>
      %get3A_321 = arith.constant 3 : i32
      %get3A_322 = arith.constant 1 : i32
      %get3A_323 = arith.constant 1 : i32
      %get3A_324 = arith.index_cast %get3A_321 : i32 to index
      %get3A_325 = arith.index_cast %get3A_322 : i32 to index
      %get3A_326 = arith.index_cast %get3A_323 : i32 to index
      %get3A_327 = arith.index_cast %add3A_202 : i32 to index
      %get3A_328 = tpu.vector_load %arg7[%get3A_324, %get3A_325, %get3A_326, %get3A_327] {strides = array<i32>} : memref<4x3x2x512xi32, #tpu.memory_space<vmem>>, vector<1x1x1x16xi32>,
      %get3A_329 = vector.shape_cast %get3A_328 : vector<1x1x1x16xi32> to vector<16xi32>
      %shift_left3A_330 = arith.constant 2 : i32
      %shift_left3A_331 = vector.broadcast %shift_left3A_330 : i32 to vector<16xi32>
      %shift_left3A_332 = arith.shli %get3A_329, %shift_left3A_331 : vector<16xi32>
      %add3A_333 = arith.addi %add3A_320, %shift_left3A_332 : vector<16xi32>
      %get3A_334 = arith.constant 3 : i32
      %get3A_335 = arith.constant 2 : i32
      %get3A_336 = arith.constant 0 : i32
      %get3A_337 = arith.index_cast %get3A_334 : i32 to index
      %get3A_338 = arith.index_cast %get3A_335 : i32 to index
      %get3A_339 = arith.index_cast %get3A_336 : i32 to index
      %get3A_340 = arith.index_cast %add3A_202 : i32 to index
      %get3A_341 = tpu.vector_load %arg7[%get3A_337, %get3A_338, %get3A_339, %get3A_340] {strides = array<i32>} : memref<4x3x2x512xi32, #tpu.memory_space<vmem>>, vector<1x1x1x16xi32>,
      %get3A_342 = vector.shape_cast %get3A_341 : vector<1x1x1x16xi32> to vector<16xi32>
      %shift_left3A_343 = arith.constant 1 : i32
      %shift_left3A_344 = vector.broadcast %shift_left3A_343 : i32 to vector<16xi32>
      %shift_left3A_345 = arith.shli %get3A_342, %shift_left3A_344 : vector<16xi32>
      %add3A_346 = arith.addi %add3A_333, %shift_left3A_345 : vector<16xi32>
      %get3A_347 = arith.constant 3 : i32
      %get3A_348 = arith.constant 2 : i32
      %get3A_349 = arith.constant 1 : i32
      %get3A_350 = arith.index_cast %get3A_347 : i32 to index
      %get3A_351 = arith.index_cast %get3A_348 : i32 to index
      %get3A_352 = arith.index_cast %get3A_349 : i32 to index
      %get3A_353 = arith.index_cast %add3A_202 : i32 to index
      %get3A_354 = tpu.vector_load %arg7[%get3A_350, %get3A_351, %get3A_352, %get3A_353] {strides = array<i32>} : memref<4x3x2x512xi32, #tpu.memory_space<vmem>>, vector<1x1x1x16xi32>,
      %get3A_355 = vector.shape_cast %get3A_354 : vector<1x1x1x16xi32> to vector<16xi32>
      %shift_left3A_356 = arith.constant 0 : i32
      %shift_left3A_357 = vector.broadcast %shift_left3A_356 : i32 to vector<16xi32>
      %shift_left3A_358 = arith.shli %get3A_355, %shift_left3A_357 : vector<16xi32>
      %add3A_359 = arith.addi %add3A_346, %shift_left3A_358 : vector<16xi32>
      %swap3A = arith.index_cast %add3A_202 : i32 to index
      %swap3A_360 = tpu.vector_load %arg8[%swap3A] {strides = array<i32>} : memref<512xi32, #tpu.memory_space<vmem>>, vector<16xi32>,
      %swap3A_361 = vector.shape_cast %swap3A_360 : vector<16xi32> to vector<16xi32>
      %swap3A_362 = vector.shape_cast %add3A_359 : vector<16xi32> to vector<16xi32>
      tpu.vector_store %arg8[%swap3A], %swap3A_362 {strides = array<i32>} : memref<512xi32, #tpu.memory_space<vmem>>, vector<16xi32>,
    }
    %scan3A_83 = arith.constant 8 : i32
    %dma_start3A_84 = arith.constant 0 : i32
    %dma_start3A_85 = tpu.memref_slice %arg9[%dma_start3A_84] : memref<512xf32, #tpu.memory_space<vmem>> -> memref<128xf32, #tpu.memory_space<vmem>>
    %dma_start3A_86 = arith.constant 0 : i32
    %dma_start3A_87 = tpu.memref_slice %arg8[%dma_start3A_86] : memref<512xi32, #tpu.memory_space<vmem>> -> memref<128xi32, #tpu.memory_space<vmem>>
    %dma_start3A_88 = arith.constant 0 : i32
    %dma_start3A_89 = tpu.memref_slice %arg3[%dma_start3A_88] : memref<16777216xf32, #tpu.memory_space<hbm>> -> memref<16777216xf32, #tpu.memory_space<hbm>>
    tpu.enqueue_indirect_dma source(%dma_start3A_89 : memref<16777216xf32, #tpu.memory_space<hbm>>) target(%dma_start3A_85 : memref<128xf32, #tpu.memory_space<vmem>>) offsets(%dma_start3A_87 : memref<128xi32, #tpu.memory_space<vmem>>) semaphore(%arg12 : memref<!tpu.dma_semaphore, #tpu.memory_space<semaphore_mem>>)
    %dma_start3A_90 = arith.constant 0 : i32
    %dma_start3A_91 = tpu.memref_slice %arg10[%dma_start3A_90] : memref<512xf32, #tpu.memory_space<vmem>> -> memref<128xf32, #tpu.memory_space<vmem>>
    %dma_start3A_92 = arith.constant 0 : i32
    %dma_start3A_93 = tpu.memref_slice %arg8[%dma_start3A_92] : memref<512xi32, #tpu.memory_space<vmem>> -> memref<128xi32, #tpu.memory_space<vmem>>
    %dma_start3A_94 = arith.constant 0 : i32
    %dma_start3A_95 = tpu.memref_slice %arg4[%dma_start3A_94] : memref<16777216xf32, #tpu.memory_space<hbm>> -> memref<16777216xf32, #tpu.memory_space<hbm>>
    tpu.enqueue_indirect_dma source(%dma_start3A_95 : memref<16777216xf32, #tpu.memory_space<hbm>>) target(%dma_start3A_91 : memref<128xf32, #tpu.memory_space<vmem>>) offsets(%dma_start3A_93 : memref<128xi32, #tpu.memory_space<vmem>>) semaphore(%arg13 : memref<!tpu.dma_semaphore, #tpu.memory_space<semaphore_mem>>)
    %scan3A_96 = arith.constant 0 : i32
    %scan3A_97 = arith.constant 0 : i32
    %scan3A_98 = arith.constant 8 : i32
    %scan3A_99 = arith.addi %scan3A_97, %scan3A_98 : i32
    %scan3A_100 = arith.constant 1 : i32
    scf.for %scan3A_198 = %scan3A_97 to %scan3A_99 step %scan3A_100  : i32 {
      %mul3A_199 = arith.constant 16 : i32
      %mul3A_200 = arith.muli %scan3A_198, %mul3A_199 : i32
      %add3A_201 = arith.constant 128 : i32
      %add3A_202 = arith.addi %add3A_201, %mul3A_200 : i32
      %get3A = arith.index_cast %add3A_202 : i32 to index
      %get3A_203 = tpu.vector_load %arg8[%get3A] {strides = array<i32>} : memref<512xi32, #tpu.memory_space<vmem>>, vector<16xi32>,
      %get3A_204 = vector.shape_cast %get3A_203 : vector<16xi32> to vector<16xi32>
      %get3A_205 = arith.constant 2 : i32
      %get3A_206 = arith.constant 0 : i32
      %get3A_207 = arith.constant 0 : i32
      %get3A_208 = arith.index_cast %get3A_205 : i32 to index
      %get3A_209 = arith.index_cast %get3A_206 : i32 to index
      %get3A_210 = arith.index_cast %get3A_207 : i32 to index
      %get3A_211 = arith.index_cast %add3A_202 : i32 to index
      %get3A_212 = tpu.vector_load %arg7[%get3A_208, %get3A_209, %get3A_210, %get3A_211] {strides = array<i32>} : memref<4x3x2x512xi32, #tpu.memory_space<vmem>>, vector<1x1x1x16xi32>,
      %get3A_213 = vector.shape_cast %get3A_212 : vector<1x1x1x16xi32> to vector<16xi32>
      %shift_left3A = arith.constant 11 : i32
      %shift_left3A_214 = vector.broadcast %shift_left3A : i32 to vector<16xi32>
      %shift_left3A_215 = arith.shli %get3A_213, %shift_left3A_214 : vector<16xi32>
      %add3A_216 = arith.addi %get3A_204, %shift_left3A_215 : vector<16xi32>
      %get3A_217 = arith.constant 2 : i32
      %get3A_218 = arith.constant 0 : i32
      %get3A_219 = arith.constant 1 : i32
      %get3A_220 = arith.index_cast %get3A_217 : i32 to index
      %get3A_221 = arith.index_cast %get3A_218 : i32 to index
      %get3A_222 = arith.index_cast %get3A_219 : i32 to index
      %get3A_223 = arith.index_cast %add3A_202 : i32 to index
      %get3A_224 = tpu.vector_load %arg7[%get3A_220, %get3A_221, %get3A_222, %get3A_223] {strides = array<i32>} : memref<4x3x2x512xi32, #tpu.memory_space<vmem>>, vector<1x1x1x16xi32>,
      %get3A_225 = vector.shape_cast %get3A_224 : vector<1x1x1x16xi32> to vector<16xi32>
      %shift_left3A_226 = arith.constant 10 : i32
      %shift_left3A_227 = vector.broadcast %shift_left3A_226 : i32 to vector<16xi32>
      %shift_left3A_228 = arith.shli %get3A_225, %shift_left3A_227 : vector<16xi32>
      %add3A_229 = arith.addi %add3A_216, %shift_left3A_228 : vector<16xi32>
      %get3A_230 = arith.constant 2 : i32
      %get3A_231 = arith.constant 1 : i32
      %get3A_232 = arith.constant 0 : i32
      %get3A_233 = arith.index_cast %get3A_230 : i32 to index
      %get3A_234 = arith.index_cast %get3A_231 : i32 to index
      %get3A_235 = arith.index_cast %get3A_232 : i32 to index
      %get3A_236 = arith.index_cast %add3A_202 : i32 to index
      %get3A_237 = tpu.vector_load %arg7[%get3A_233, %get3A_234, %get3A_235, %get3A_236] {strides = array<i32>} : memref<4x3x2x512xi32, #tpu.memory_space<vmem>>, vector<1x1x1x16xi32>,
      %get3A_238 = vector.shape_cast %get3A_237 : vector<1x1x1x16xi32> to vector<16xi32>
      %shift_left3A_239 = arith.constant 9 : i32
      %shift_left3A_240 = vector.broadcast %shift_left3A_239 : i32 to vector<16xi32>
      %shift_left3A_241 = arith.shli %get3A_238, %shift_left3A_240 : vector<16xi32>
      %add3A_242 = arith.addi %add3A_229, %shift_left3A_241 : vector<16xi32>
      %get3A_243 = arith.constant 2 : i32
      %get3A_244 = arith.constant 1 : i32
      %get3A_245 = arith.constant 1 : i32
      %get3A_246 = arith.index_cast %get3A_243 : i32 to index
      %get3A_247 = arith.index_cast %get3A_244 : i32 to index
      %get3A_248 = arith.index_cast %get3A_245 : i32 to index
      %get3A_249 = arith.index_cast %add3A_202 : i32 to index
      %get3A_250 = tpu.vector_load %arg7[%get3A_246, %get3A_247, %get3A_248, %get3A_249] {strides = array<i32>} : memref<4x3x2x512xi32, #tpu.memory_space<vmem>>, vector<1x1x1x16xi32>,
      %get3A_251 = vector.shape_cast %get3A_250 : vector<1x1x1x16xi32> to vector<16xi32>
      %shift_left3A_252 = arith.constant 8 : i32
      %shift_left3A_253 = vector.broadcast %shift_left3A_252 : i32 to vector<16xi32>
      %shift_left3A_254 = arith.shli %get3A_251, %shift_left3A_253 : vector<16xi32>
      %add3A_255 = arith.addi %add3A_242, %shift_left3A_254 : vector<16xi32>
      %get3A_256 = arith.constant 2 : i32
      %get3A_257 = arith.constant 2 : i32
      %get3A_258 = arith.constant 0 : i32
      %get3A_259 = arith.index_cast %get3A_256 : i32 to index
      %get3A_260 = arith.index_cast %get3A_257 : i32 to index
      %get3A_261 = arith.index_cast %get3A_258 : i32 to index
      %get3A_262 = arith.index_cast %add3A_202 : i32 to index
      %get3A_263 = tpu.vector_load %arg7[%get3A_259, %get3A_260, %get3A_261, %get3A_262] {strides = array<i32>} : memref<4x3x2x512xi32, #tpu.memory_space<vmem>>, vector<1x1x1x16xi32>,
      %get3A_264 = vector.shape_cast %get3A_263 : vector<1x1x1x16xi32> to vector<16xi32>
      %shift_left3A_265 = arith.constant 7 : i32
      %shift_left3A_266 = vector.broadcast %shift_left3A_265 : i32 to vector<16xi32>
      %shift_left3A_267 = arith.shli %get3A_264, %shift_left3A_266 : vector<16xi32>
      %add3A_268 = arith.addi %add3A_255, %shift_left3A_267 : vector<16xi32>
      %get3A_269 = arith.constant 2 : i32
      %get3A_270 = arith.constant 2 : i32
      %get3A_271 = arith.constant 1 : i32
      %get3A_272 = arith.index_cast %get3A_269 : i32 to index
      %get3A_273 = arith.index_cast %get3A_270 : i32 to index
      %get3A_274 = arith.index_cast %get3A_271 : i32 to index
      %get3A_275 = arith.index_cast %add3A_202 : i32 to index
      %get3A_276 = tpu.vector_load %arg7[%get3A_272, %get3A_273, %get3A_274, %get3A_275] {strides = array<i32>} : memref<4x3x2x512xi32, #tpu.memory_space<vmem>>, vector<1x1x1x16xi32>,
      %get3A_277 = vector.shape_cast %get3A_276 : vector<1x1x1x16xi32> to vector<16xi32>
      %shift_left3A_278 = arith.constant 6 : i32
      %shift_left3A_279 = vector.broadcast %shift_left3A_278 : i32 to vector<16xi32>
      %shift_left3A_280 = arith.shli %get3A_277, %shift_left3A_279 : vector<16xi32>
      %add3A_281 = arith.addi %add3A_268, %shift_left3A_280 : vector<16xi32>
      %get3A_282 = arith.constant 3 : i32
      %get3A_283 = arith.constant 0 : i32
      %get3A_284 = arith.constant 0 : i32
      %get3A_285 = arith.index_cast %get3A_282 : i32 to index
      %get3A_286 = arith.index_cast %get3A_283 : i32 to index
      %get3A_287 = arith.index_cast %get3A_284 : i32 to index
      %get3A_288 = arith.index_cast %add3A_202 : i32 to index
      %get3A_289 = tpu.vector_load %arg7[%get3A_285, %get3A_286, %get3A_287, %get3A_288] {strides = array<i32>} : memref<4x3x2x512xi32, #tpu.memory_space<vmem>>, vector<1x1x1x16xi32>,
      %get3A_290 = vector.shape_cast %get3A_289 : vector<1x1x1x16xi32> to vector<16xi32>
      %shift_left3A_291 = arith.constant 5 : i32
      %shift_left3A_292 = vector.broadcast %shift_left3A_291 : i32 to vector<16xi32>
      %shift_left3A_293 = arith.shli %get3A_290, %shift_left3A_292 : vector<16xi32>
      %add3A_294 = arith.addi %add3A_281, %shift_left3A_293 : vector<16xi32>
      %get3A_295 = arith.constant 3 : i32
      %get3A_296 = arith.constant 0 : i32
      %get3A_297 = arith.constant 1 : i32
      %get3A_298 = arith.index_cast %get3A_295 : i32 to index
      %get3A_299 = arith.index_cast %get3A_296 : i32 to index
      %get3A_300 = arith.index_cast %get3A_297 : i32 to index
      %get3A_301 = arith.index_cast %add3A_202 : i32 to index
      %get3A_302 = tpu.vector_load %arg7[%get3A_298, %get3A_299, %get3A_300, %get3A_301] {strides = array<i32>} : memref<4x3x2x512xi32, #tpu.memory_space<vmem>>, vector<1x1x1x16xi32>,
      %get3A_303 = vector.shape_cast %get3A_302 : vector<1x1x1x16xi32> to vector<16xi32>
      %shift_left3A_304 = arith.constant 4 : i32
      %shift_left3A_305 = vector.broadcast %shift_left3A_304 : i32 to vector<16xi32>
      %shift_left3A_306 = arith.shli %get3A_303, %shift_left3A_305 : vector<16xi32>
      %add3A_307 = arith.addi %add3A_294, %shift_left3A_306 : vector<16xi32>
      %get3A_308 = arith.constant 3 : i32
      %get3A_309 = arith.constant 1 : i32
      %get3A_310 = arith.constant 0 : i32
      %get3A_311 = arith.index_cast %get3A_308 : i32 to index
      %get3A_312 = arith.index_cast %get3A_309 : i32 to index
      %get3A_313 = arith.index_cast %get3A_310 : i32 to index
      %get3A_314 = arith.index_cast %add3A_202 : i32 to index
      %get3A_315 = tpu.vector_load %arg7[%get3A_311, %get3A_312, %get3A_313, %get3A_314] {strides = array<i32>} : memref<4x3x2x512xi32, #tpu.memory_space<vmem>>, vector<1x1x1x16xi32>,
      %get3A_316 = vector.shape_cast %get3A_315 : vector<1x1x1x16xi32> to vector<16xi32>
      %shift_left3A_317 = arith.constant 3 : i32
      %shift_left3A_318 = vector.broadcast %shift_left3A_317 : i32 to vector<16xi32>
      %shift_left3A_319 = arith.shli %get3A_316, %shift_left3A_318 : vector<16xi32>
      %add3A_320 = arith.addi %add3A_307, %shift_left3A_319 : vector<16xi32>
      %get3A_321 = arith.constant 3 : i32
      %get3A_322 = arith.constant 1 : i32
      %get3A_323 = arith.constant 1 : i32
      %get3A_324 = arith.index_cast %get3A_321 : i32 to index
      %get3A_325 = arith.index_cast %get3A_322 : i32 to index
      %get3A_326 = arith.index_cast %get3A_323 : i32 to index
      %get3A_327 = arith.index_cast %add3A_202 : i32 to index
      %get3A_328 = tpu.vector_load %arg7[%get3A_324, %get3A_325, %get3A_326, %get3A_327] {strides = array<i32>} : memref<4x3x2x512xi32, #tpu.memory_space<vmem>>, vector<1x1x1x16xi32>,
      %get3A_329 = vector.shape_cast %get3A_328 : vector<1x1x1x16xi32> to vector<16xi32>
      %shift_left3A_330 = arith.constant 2 : i32
      %shift_left3A_331 = vector.broadcast %shift_left3A_330 : i32 to vector<16xi32>
      %shift_left3A_332 = arith.shli %get3A_329, %shift_left3A_331 : vector<16xi32>
      %add3A_333 = arith.addi %add3A_320, %shift_left3A_332 : vector<16xi32>
      %get3A_334 = arith.constant 3 : i32
      %get3A_335 = arith.constant 2 : i32
      %get3A_336 = arith.constant 0 : i32
      %get3A_337 = arith.index_cast %get3A_334 : i32 to index
      %get3A_338 = arith.index_cast %get3A_335 : i32 to index
      %get3A_339 = arith.index_cast %get3A_336 : i32 to index
      %get3A_340 = arith.index_cast %add3A_202 : i32 to index
      %get3A_341 = tpu.vector_load %arg7[%get3A_337, %get3A_338, %get3A_339, %get3A_340] {strides = array<i32>} : memref<4x3x2x512xi32, #tpu.memory_space<vmem>>, vector<1x1x1x16xi32>,
      %get3A_342 = vector.shape_cast %get3A_341 : vector<1x1x1x16xi32> to vector<16xi32>
      %shift_left3A_343 = arith.constant 1 : i32
      %shift_left3A_344 = vector.broadcast %shift_left3A_343 : i32 to vector<16xi32>
      %shift_left3A_345 = arith.shli %get3A_342, %shift_left3A_344 : vector<16xi32>
      %add3A_346 = arith.addi %add3A_333, %shift_left3A_345 : vector<16xi32>
      %get3A_347 = arith.constant 3 : i32
      %get3A_348 = arith.constant 2 : i32
      %get3A_349 = arith.constant 1 : i32
      %get3A_350 = arith.index_cast %get3A_347 : i32 to index
      %get3A_351 = arith.index_cast %get3A_348 : i32 to index
      %get3A_352 = arith.index_cast %get3A_349 : i32 to index
      %get3A_353 = arith.index_cast %add3A_202 : i32 to index
      %get3A_354 = tpu.vector_load %arg7[%get3A_350, %get3A_351, %get3A_352, %get3A_353] {strides = array<i32>} : memref<4x3x2x512xi32, #tpu.memory_space<vmem>>, vector<1x1x1x16xi32>,
      %get3A_355 = vector.shape_cast %get3A_354 : vector<1x1x1x16xi32> to vector<16xi32>
      %shift_left3A_356 = arith.constant 0 : i32
      %shift_left3A_357 = vector.broadcast %shift_left3A_356 : i32 to vector<16xi32>
      %shift_left3A_358 = arith.shli %get3A_355, %shift_left3A_357 : vector<16xi32>
      %add3A_359 = arith.addi %add3A_346, %shift_left3A_358 : vector<16xi32>
      %swap3A = arith.index_cast %add3A_202 : i32 to index
      %swap3A_360 = tpu.vector_load %arg8[%swap3A] {strides = array<i32>} : memref<512xi32, #tpu.memory_space<vmem>>, vector<16xi32>,
      %swap3A_361 = vector.shape_cast %swap3A_360 : vector<16xi32> to vector<16xi32>
      %swap3A_362 = vector.shape_cast %add3A_359 : vector<16xi32> to vector<16xi32>
      tpu.vector_store %arg8[%swap3A], %swap3A_362 {strides = array<i32>} : memref<512xi32, #tpu.memory_space<vmem>>, vector<16xi32>,
    }
    %scan3A_101 = arith.constant 8 : i32
    %dma_start3A_102 = arith.constant 128 : i32
    %dma_start3A_103 = tpu.memref_slice %arg9[%dma_start3A_102] : memref<512xf32, #tpu.memory_space<vmem>> -> memref<128xf32, #tpu.memory_space<vmem>>
    %dma_start3A_104 = arith.constant 128 : i32
    %dma_start3A_105 = tpu.memref_slice %arg8[%dma_start3A_104] : memref<512xi32, #tpu.memory_space<vmem>> -> memref<128xi32, #tpu.memory_space<vmem>>
    %dma_start3A_106 = arith.constant 0 : i32
    %dma_start3A_107 = tpu.memref_slice %arg3[%dma_start3A_106] : memref<16777216xf32, #tpu.memory_space<hbm>> -> memref<16777216xf32, #tpu.memory_space<hbm>>
    tpu.enqueue_indirect_dma source(%dma_start3A_107 : memref<16777216xf32, #tpu.memory_space<hbm>>) target(%dma_start3A_103 : memref<128xf32, #tpu.memory_space<vmem>>) offsets(%dma_start3A_105 : memref<128xi32, #tpu.memory_space<vmem>>) semaphore(%arg12 : memref<!tpu.dma_semaphore, #tpu.memory_space<semaphore_mem>>)
    %dma_start3A_108 = arith.constant 128 : i32
    %dma_start3A_109 = tpu.memref_slice %arg10[%dma_start3A_108] : memref<512xf32, #tpu.memory_space<vmem>> -> memref<128xf32, #tpu.memory_space<vmem>>
    %dma_start3A_110 = arith.constant 128 : i32
    %dma_start3A_111 = tpu.memref_slice %arg8[%dma_start3A_110] : memref<512xi32, #tpu.memory_space<vmem>> -> memref<128xi32, #tpu.memory_space<vmem>>
    %dma_start3A_112 = arith.constant 0 : i32
    %dma_start3A_113 = tpu.memref_slice %arg4[%dma_start3A_112] : memref<16777216xf32, #tpu.memory_space<hbm>> -> memref<16777216xf32, #tpu.memory_space<hbm>>
    tpu.enqueue_indirect_dma source(%dma_start3A_113 : memref<16777216xf32, #tpu.memory_space<hbm>>) target(%dma_start3A_109 : memref<128xf32, #tpu.memory_space<vmem>>) offsets(%dma_start3A_111 : memref<128xi32, #tpu.memory_space<vmem>>) semaphore(%arg13 : memref<!tpu.dma_semaphore, #tpu.memory_space<semaphore_mem>>)
    %scan3A_114 = arith.constant 0 : i32
    %scan3A_115 = arith.constant 0 : i32
    %scan3A_116 = arith.constant 8 : i32
    %scan3A_117 = arith.addi %scan3A_115, %scan3A_116 : i32
    %scan3A_118 = arith.constant 1 : i32
    scf.for %scan3A_198 = %scan3A_115 to %scan3A_117 step %scan3A_118  : i32 {
      %mul3A_199 = arith.constant 16 : i32
      %mul3A_200 = arith.muli %scan3A_198, %mul3A_199 : i32
      %add3A_201 = arith.constant 256 : i32
      %add3A_202 = arith.addi %add3A_201, %mul3A_200 : i32
      %get3A = arith.index_cast %add3A_202 : i32 to index
      %get3A_203 = tpu.vector_load %arg8[%get3A] {strides = array<i32>} : memref<512xi32, #tpu.memory_space<vmem>>, vector<16xi32>,
      %get3A_204 = vector.shape_cast %get3A_203 : vector<16xi32> to vector<16xi32>
      %get3A_205 = arith.constant 2 : i32
      %get3A_206 = arith.constant 0 : i32
      %get3A_207 = arith.constant 0 : i32
      %get3A_208 = arith.index_cast %get3A_205 : i32 to index
      %get3A_209 = arith.index_cast %get3A_206 : i32 to index
      %get3A_210 = arith.index_cast %get3A_207 : i32 to index
      %get3A_211 = arith.index_cast %add3A_202 : i32 to index
      %get3A_212 = tpu.vector_load %arg7[%get3A_208, %get3A_209, %get3A_210, %get3A_211] {strides = array<i32>} : memref<4x3x2x512xi32, #tpu.memory_space<vmem>>, vector<1x1x1x16xi32>,
      %get3A_213 = vector.shape_cast %get3A_212 : vector<1x1x1x16xi32> to vector<16xi32>
      %shift_left3A = arith.constant 11 : i32
      %shift_left3A_214 = vector.broadcast %shift_left3A : i32 to vector<16xi32>
      %shift_left3A_215 = arith.shli %get3A_213, %shift_left3A_214 : vector<16xi32>
      %add3A_216 = arith.addi %get3A_204, %shift_left3A_215 : vector<16xi32>
      %get3A_217 = arith.constant 2 : i32
      %get3A_218 = arith.constant 0 : i32
      %get3A_219 = arith.constant 1 : i32
      %get3A_220 = arith.index_cast %get3A_217 : i32 to index
      %get3A_221 = arith.index_cast %get3A_218 : i32 to index
      %get3A_222 = arith.index_cast %get3A_219 : i32 to index
      %get3A_223 = arith.index_cast %add3A_202 : i32 to index
      %get3A_224 = tpu.vector_load %arg7[%get3A_220, %get3A_221, %get3A_222, %get3A_223] {strides = array<i32>} : memref<4x3x2x512xi32, #tpu.memory_space<vmem>>, vector<1x1x1x16xi32>,
      %get3A_225 = vector.shape_cast %get3A_224 : vector<1x1x1x16xi32> to vector<16xi32>
      %shift_left3A_226 = arith.constant 10 : i32
      %shift_left3A_227 = vector.broadcast %shift_left3A_226 : i32 to vector<16xi32>
      %shift_left3A_228 = arith.shli %get3A_225, %shift_left3A_227 : vector<16xi32>
      %add3A_229 = arith.addi %add3A_216, %shift_left3A_228 : vector<16xi32>
      %get3A_230 = arith.constant 2 : i32
      %get3A_231 = arith.constant 1 : i32
      %get3A_232 = arith.constant 0 : i32
      %get3A_233 = arith.index_cast %get3A_230 : i32 to index
      %get3A_234 = arith.index_cast %get3A_231 : i32 to index
      %get3A_235 = arith.index_cast %get3A_232 : i32 to index
      %get3A_236 = arith.index_cast %add3A_202 : i32 to index
      %get3A_237 = tpu.vector_load %arg7[%get3A_233, %get3A_234, %get3A_235, %get3A_236] {strides = array<i32>} : memref<4x3x2x512xi32, #tpu.memory_space<vmem>>, vector<1x1x1x16xi32>,
      %get3A_238 = vector.shape_cast %get3A_237 : vector<1x1x1x16xi32> to vector<16xi32>
      %shift_left3A_239 = arith.constant 9 : i32
      %shift_left3A_240 = vector.broadcast %shift_left3A_239 : i32 to vector<16xi32>
      %shift_left3A_241 = arith.shli %get3A_238, %shift_left3A_240 : vector<16xi32>
      %add3A_242 = arith.addi %add3A_229, %shift_left3A_241 : vector<16xi32>
      %get3A_243 = arith.constant 2 : i32
      %get3A_244 = arith.constant 1 : i32
      %get3A_245 = arith.constant 1 : i32
      %get3A_246 = arith.index_cast %get3A_243 : i32 to index
      %get3A_247 = arith.index_cast %get3A_244 : i32 to index
      %get3A_248 = arith.index_cast %get3A_245 : i32 to index
      %get3A_249 = arith.index_cast %add3A_202 : i32 to index
      %get3A_250 = tpu.vector_load %arg7[%get3A_246, %get3A_247, %get3A_248, %get3A_249] {strides = array<i32>} : memref<4x3x2x512xi32, #tpu.memory_space<vmem>>, vector<1x1x1x16xi32>,
      %get3A_251 = vector.shape_cast %get3A_250 : vector<1x1x1x16xi32> to vector<16xi32>
      %shift_left3A_252 = arith.constant 8 : i32
      %shift_left3A_253 = vector.broadcast %shift_left3A_252 : i32 to vector<16xi32>
      %shift_left3A_254 = arith.shli %get3A_251, %shift_left3A_253 : vector<16xi32>
      %add3A_255 = arith.addi %add3A_242, %shift_left3A_254 : vector<16xi32>
      %get3A_256 = arith.constant 2 : i32
      %get3A_257 = arith.constant 2 : i32
      %get3A_258 = arith.constant 0 : i32
      %get3A_259 = arith.index_cast %get3A_256 : i32 to index
      %get3A_260 = arith.index_cast %get3A_257 : i32 to index
      %get3A_261 = arith.index_cast %get3A_258 : i32 to index
      %get3A_262 = arith.index_cast %add3A_202 : i32 to index
      %get3A_263 = tpu.vector_load %arg7[%get3A_259, %get3A_260, %get3A_261, %get3A_262] {strides = array<i32>} : memref<4x3x2x512xi32, #tpu.memory_space<vmem>>, vector<1x1x1x16xi32>,
      %get3A_264 = vector.shape_cast %get3A_263 : vector<1x1x1x16xi32> to vector<16xi32>
      %shift_left3A_265 = arith.constant 7 : i32
      %shift_left3A_266 = vector.broadcast %shift_left3A_265 : i32 to vector<16xi32>
      %shift_left3A_267 = arith.shli %get3A_264, %shift_left3A_266 : vector<16xi32>
      %add3A_268 = arith.addi %add3A_255, %shift_left3A_267 : vector<16xi32>
      %get3A_269 = arith.constant 2 : i32
      %get3A_270 = arith.constant 2 : i32
      %get3A_271 = arith.constant 1 : i32
      %get3A_272 = arith.index_cast %get3A_269 : i32 to index
      %get3A_273 = arith.index_cast %get3A_270 : i32 to index
      %get3A_274 = arith.index_cast %get3A_271 : i32 to index
      %get3A_275 = arith.index_cast %add3A_202 : i32 to index
      %get3A_276 = tpu.vector_load %arg7[%get3A_272, %get3A_273, %get3A_274, %get3A_275] {strides = array<i32>} : memref<4x3x2x512xi32, #tpu.memory_space<vmem>>, vector<1x1x1x16xi32>,
      %get3A_277 = vector.shape_cast %get3A_276 : vector<1x1x1x16xi32> to vector<16xi32>
      %shift_left3A_278 = arith.constant 6 : i32
      %shift_left3A_279 = vector.broadcast %shift_left3A_278 : i32 to vector<16xi32>
      %shift_left3A_280 = arith.shli %get3A_277, %shift_left3A_279 : vector<16xi32>
      %add3A_281 = arith.addi %add3A_268, %shift_left3A_280 : vector<16xi32>
      %get3A_282 = arith.constant 3 : i32
      %get3A_283 = arith.constant 0 : i32
      %get3A_284 = arith.constant 0 : i32
      %get3A_285 = arith.index_cast %get3A_282 : i32 to index
      %get3A_286 = arith.index_cast %get3A_283 : i32 to index
      %get3A_287 = arith.index_cast %get3A_284 : i32 to index
      %get3A_288 = arith.index_cast %add3A_202 : i32 to index
      %get3A_289 = tpu.vector_load %arg7[%get3A_285, %get3A_286, %get3A_287, %get3A_288] {strides = array<i32>} : memref<4x3x2x512xi32, #tpu.memory_space<vmem>>, vector<1x1x1x16xi32>,
      %get3A_290 = vector.shape_cast %get3A_289 : vector<1x1x1x16xi32> to vector<16xi32>
      %shift_left3A_291 = arith.constant 5 : i32
      %shift_left3A_292 = vector.broadcast %shift_left3A_291 : i32 to vector<16xi32>
      %shift_left3A_293 = arith.shli %get3A_290, %shift_left3A_292 : vector<16xi32>
      %add3A_294 = arith.addi %add3A_281, %shift_left3A_293 : vector<16xi32>
      %get3A_295 = arith.constant 3 : i32
      %get3A_296 = arith.constant 0 : i32
      %get3A_297 = arith.constant 1 : i32
      %get3A_298 = arith.index_cast %get3A_295 : i32 to index
      %get3A_299 = arith.index_cast %get3A_296 : i32 to index
      %get3A_300 = arith.index_cast %get3A_297 : i32 to index
      %get3A_301 = arith.index_cast %add3A_202 : i32 to index
      %get3A_302 = tpu.vector_load %arg7[%get3A_298, %get3A_299, %get3A_300, %get3A_301] {strides = array<i32>} : memref<4x3x2x512xi32, #tpu.memory_space<vmem>>, vector<1x1x1x16xi32>,
      %get3A_303 = vector.shape_cast %get3A_302 : vector<1x1x1x16xi32> to vector<16xi32>
      %shift_left3A_304 = arith.constant 4 : i32
      %shift_left3A_305 = vector.broadcast %shift_left3A_304 : i32 to vector<16xi32>
      %shift_left3A_306 = arith.shli %get3A_303, %shift_left3A_305 : vector<16xi32>
      %add3A_307 = arith.addi %add3A_294, %shift_left3A_306 : vector<16xi32>
      %get3A_308 = arith.constant 3 : i32
      %get3A_309 = arith.constant 1 : i32
      %get3A_310 = arith.constant 0 : i32
      %get3A_311 = arith.index_cast %get3A_308 : i32 to index
      %get3A_312 = arith.index_cast %get3A_309 : i32 to index
      %get3A_313 = arith.index_cast %get3A_310 : i32 to index
      %get3A_314 = arith.index_cast %add3A_202 : i32 to index
      %get3A_315 = tpu.vector_load %arg7[%get3A_311, %get3A_312, %get3A_313, %get3A_314] {strides = array<i32>} : memref<4x3x2x512xi32, #tpu.memory_space<vmem>>, vector<1x1x1x16xi32>,
      %get3A_316 = vector.shape_cast %get3A_315 : vector<1x1x1x16xi32> to vector<16xi32>
      %shift_left3A_317 = arith.constant 3 : i32
      %shift_left3A_318 = vector.broadcast %shift_left3A_317 : i32 to vector<16xi32>
      %shift_left3A_319 = arith.shli %get3A_316, %shift_left3A_318 : vector<16xi32>
      %add3A_320 = arith.addi %add3A_307, %shift_left3A_319 : vector<16xi32>
      %get3A_321 = arith.constant 3 : i32
      %get3A_322 = arith.constant 1 : i32
      %get3A_323 = arith.constant 1 : i32
      %get3A_324 = arith.index_cast %get3A_321 : i32 to index
      %get3A_325 = arith.index_cast %get3A_322 : i32 to index
      %get3A_326 = arith.index_cast %get3A_323 : i32 to index
      %get3A_327 = arith.index_cast %add3A_202 : i32 to index
      %get3A_328 = tpu.vector_load %arg7[%get3A_324, %get3A_325, %get3A_326, %get3A_327] {strides = array<i32>} : memref<4x3x2x512xi32, #tpu.memory_space<vmem>>, vector<1x1x1x16xi32>,
      %get3A_329 = vector.shape_cast %get3A_328 : vector<1x1x1x16xi32> to vector<16xi32>
      %shift_left3A_330 = arith.constant 2 : i32
      %shift_left3A_331 = vector.broadcast %shift_left3A_330 : i32 to vector<16xi32>
      %shift_left3A_332 = arith.shli %get3A_329, %shift_left3A_331 : vector<16xi32>
      %add3A_333 = arith.addi %add3A_320, %shift_left3A_332 : vector<16xi32>
      %get3A_334 = arith.constant 3 : i32
      %get3A_335 = arith.constant 2 : i32
      %get3A_336 = arith.constant 0 : i32
      %get3A_337 = arith.index_cast %get3A_334 : i32 to index
      %get3A_338 = arith.index_cast %get3A_335 : i32 to index
      %get3A_339 = arith.index_cast %get3A_336 : i32 to index
      %get3A_340 = arith.index_cast %add3A_202 : i32 to index
      %get3A_341 = tpu.vector_load %arg7[%get3A_337, %get3A_338, %get3A_339, %get3A_340] {strides = array<i32>} : memref<4x3x2x512xi32, #tpu.memory_space<vmem>>, vector<1x1x1x16xi32>,
      %get3A_342 = vector.shape_cast %get3A_341 : vector<1x1x1x16xi32> to vector<16xi32>
      %shift_left3A_343 = arith.constant 1 : i32
      %shift_left3A_344 = vector.broadcast %shift_left3A_343 : i32 to vector<16xi32>
      %shift_left3A_345 = arith.shli %get3A_342, %shift_left3A_344 : vector<16xi32>
      %add3A_346 = arith.addi %add3A_333, %shift_left3A_345 : vector<16xi32>
      %get3A_347 = arith.constant 3 : i32
      %get3A_348 = arith.constant 2 : i32
      %get3A_349 = arith.constant 1 : i32
      %get3A_350 = arith.index_cast %get3A_347 : i32 to index
      %get3A_351 = arith.index_cast %get3A_348 : i32 to index
      %get3A_352 = arith.index_cast %get3A_349 : i32 to index
      %get3A_353 = arith.index_cast %add3A_202 : i32 to index
      %get3A_354 = tpu.vector_load %arg7[%get3A_350, %get3A_351, %get3A_352, %get3A_353] {strides = array<i32>} : memref<4x3x2x512xi32, #tpu.memory_space<vmem>>, vector<1x1x1x16xi32>,
      %get3A_355 = vector.shape_cast %get3A_354 : vector<1x1x1x16xi32> to vector<16xi32>
      %shift_left3A_356 = arith.constant 0 : i32
      %shift_left3A_357 = vector.broadcast %shift_left3A_356 : i32 to vector<16xi32>
      %shift_left3A_358 = arith.shli %get3A_355, %shift_left3A_357 : vector<16xi32>
      %add3A_359 = arith.addi %add3A_346, %shift_left3A_358 : vector<16xi32>
      %swap3A = arith.index_cast %add3A_202 : i32 to index
      %swap3A_360 = tpu.vector_load %arg8[%swap3A] {strides = array<i32>} : memref<512xi32, #tpu.memory_space<vmem>>, vector<16xi32>,
      %swap3A_361 = vector.shape_cast %swap3A_360 : vector<16xi32> to vector<16xi32>
      %swap3A_362 = vector.shape_cast %add3A_359 : vector<16xi32> to vector<16xi32>
      tpu.vector_store %arg8[%swap3A], %swap3A_362 {strides = array<i32>} : memref<512xi32, #tpu.memory_space<vmem>>, vector<16xi32>,
    }
    %scan3A_119 = arith.constant 8 : i32
    %dma_start3A_120 = arith.constant 256 : i32
    %dma_start3A_121 = tpu.memref_slice %arg9[%dma_start3A_120] : memref<512xf32, #tpu.memory_space<vmem>> -> memref<128xf32, #tpu.memory_space<vmem>>
    %dma_start3A_122 = arith.constant 256 : i32
    %dma_start3A_123 = tpu.memref_slice %arg8[%dma_start3A_122] : memref<512xi32, #tpu.memory_space<vmem>> -> memref<128xi32, #tpu.memory_space<vmem>>
    %dma_start3A_124 = arith.constant 0 : i32
    %dma_start3A_125 = tpu.memref_slice %arg3[%dma_start3A_124] : memref<16777216xf32, #tpu.memory_space<hbm>> -> memref<16777216xf32, #tpu.memory_space<hbm>>
    tpu.enqueue_indirect_dma source(%dma_start3A_125 : memref<16777216xf32, #tpu.memory_space<hbm>>) target(%dma_start3A_121 : memref<128xf32, #tpu.memory_space<vmem>>) offsets(%dma_start3A_123 : memref<128xi32, #tpu.memory_space<vmem>>) semaphore(%arg12 : memref<!tpu.dma_semaphore, #tpu.memory_space<semaphore_mem>>)
    %dma_start3A_126 = arith.constant 256 : i32
    %dma_start3A_127 = tpu.memref_slice %arg10[%dma_start3A_126] : memref<512xf32, #tpu.memory_space<vmem>> -> memref<128xf32, #tpu.memory_space<vmem>>
    %dma_start3A_128 = arith.constant 256 : i32
    %dma_start3A_129 = tpu.memref_slice %arg8[%dma_start3A_128] : memref<512xi32, #tpu.memory_space<vmem>> -> memref<128xi32, #tpu.memory_space<vmem>>
    %dma_start3A_130 = arith.constant 0 : i32
    %dma_start3A_131 = tpu.memref_slice %arg4[%dma_start3A_130] : memref<16777216xf32, #tpu.memory_space<hbm>> -> memref<16777216xf32, #tpu.memory_space<hbm>>
    tpu.enqueue_indirect_dma source(%dma_start3A_131 : memref<16777216xf32, #tpu.memory_space<hbm>>) target(%dma_start3A_127 : memref<128xf32, #tpu.memory_space<vmem>>) offsets(%dma_start3A_129 : memref<128xi32, #tpu.memory_space<vmem>>) semaphore(%arg13 : memref<!tpu.dma_semaphore, #tpu.memory_space<semaphore_mem>>)
    %scan3A_132 = arith.constant 0 : i32
    %scan3A_133 = arith.constant 0 : i32
    %scan3A_134 = arith.constant 8 : i32
    %scan3A_135 = arith.addi %scan3A_133, %scan3A_134 : i32
    %scan3A_136 = arith.constant 1 : i32
    scf.for %scan3A_198 = %scan3A_133 to %scan3A_135 step %scan3A_136  : i32 {
      %mul3A_199 = arith.constant 16 : i32
      %mul3A_200 = arith.muli %scan3A_198, %mul3A_199 : i32
      %add3A_201 = arith.constant 384 : i32
      %add3A_202 = arith.addi %add3A_201, %mul3A_200 : i32
      %get3A = arith.index_cast %add3A_202 : i32 to index
      %get3A_203 = tpu.vector_load %arg8[%get3A] {strides = array<i32>} : memref<512xi32, #tpu.memory_space<vmem>>, vector<16xi32>,
      %get3A_204 = vector.shape_cast %get3A_203 : vector<16xi32> to vector<16xi32>
      %get3A_205 = arith.constant 2 : i32
      %get3A_206 = arith.constant 0 : i32
      %get3A_207 = arith.constant 0 : i32
      %get3A_208 = arith.index_cast %get3A_205 : i32 to index
      %get3A_209 = arith.index_cast %get3A_206 : i32 to index
      %get3A_210 = arith.index_cast %get3A_207 : i32 to index
      %get3A_211 = arith.index_cast %add3A_202 : i32 to index
      %get3A_212 = tpu.vector_load %arg7[%get3A_208, %get3A_209, %get3A_210, %get3A_211] {strides = array<i32>} : memref<4x3x2x512xi32, #tpu.memory_space<vmem>>, vector<1x1x1x16xi32>,
      %get3A_213 = vector.shape_cast %get3A_212 : vector<1x1x1x16xi32> to vector<16xi32>
      %shift_left3A = arith.constant 11 : i32
      %shift_left3A_214 = vector.broadcast %shift_left3A : i32 to vector<16xi32>
      %shift_left3A_215 = arith.shli %get3A_213, %shift_left3A_214 : vector<16xi32>
      %add3A_216 = arith.addi %get3A_204, %shift_left3A_215 : vector<16xi32>
      %get3A_217 = arith.constant 2 : i32
      %get3A_218 = arith.constant 0 : i32
      %get3A_219 = arith.constant 1 : i32
      %get3A_220 = arith.index_cast %get3A_217 : i32 to index
      %get3A_221 = arith.index_cast %get3A_218 : i32 to index
      %get3A_222 = arith.index_cast %get3A_219 : i32 to index
      %get3A_223 = arith.index_cast %add3A_202 : i32 to index
      %get3A_224 = tpu.vector_load %arg7[%get3A_220, %get3A_221, %get3A_222, %get3A_223] {strides = array<i32>} : memref<4x3x2x512xi32, #tpu.memory_space<vmem>>, vector<1x1x1x16xi32>,
      %get3A_225 = vector.shape_cast %get3A_224 : vector<1x1x1x16xi32> to vector<16xi32>
      %shift_left3A_226 = arith.constant 10 : i32
      %shift_left3A_227 = vector.broadcast %shift_left3A_226 : i32 to vector<16xi32>
      %shift_left3A_228 = arith.shli %get3A_225, %shift_left3A_227 : vector<16xi32>
      %add3A_229 = arith.addi %add3A_216, %shift_left3A_228 : vector<16xi32>
      %get3A_230 = arith.constant 2 : i32
      %get3A_231 = arith.constant 1 : i32
      %get3A_232 = arith.constant 0 : i32
      %get3A_233 = arith.index_cast %get3A_230 : i32 to index
      %get3A_234 = arith.index_cast %get3A_231 : i32 to index
      %get3A_235 = arith.index_cast %get3A_232 : i32 to index
      %get3A_236 = arith.index_cast %add3A_202 : i32 to index
      %get3A_237 = tpu.vector_load %arg7[%get3A_233, %get3A_234, %get3A_235, %get3A_236] {strides = array<i32>} : memref<4x3x2x512xi32, #tpu.memory_space<vmem>>, vector<1x1x1x16xi32>,
      %get3A_238 = vector.shape_cast %get3A_237 : vector<1x1x1x16xi32> to vector<16xi32>
      %shift_left3A_239 = arith.constant 9 : i32
      %shift_left3A_240 = vector.broadcast %shift_left3A_239 : i32 to vector<16xi32>
      %shift_left3A_241 = arith.shli %get3A_238, %shift_left3A_240 : vector<16xi32>
      %add3A_242 = arith.addi %add3A_229, %shift_left3A_241 : vector<16xi32>
      %get3A_243 = arith.constant 2 : i32
      %get3A_244 = arith.constant 1 : i32
      %get3A_245 = arith.constant 1 : i32
      %get3A_246 = arith.index_cast %get3A_243 : i32 to index
      %get3A_247 = arith.index_cast %get3A_244 : i32 to index
      %get3A_248 = arith.index_cast %get3A_245 : i32 to index
      %get3A_249 = arith.index_cast %add3A_202 : i32 to index
      %get3A_250 = tpu.vector_load %arg7[%get3A_246, %get3A_247, %get3A_248, %get3A_249] {strides = array<i32>} : memref<4x3x2x512xi32, #tpu.memory_space<vmem>>, vector<1x1x1x16xi32>,
      %get3A_251 = vector.shape_cast %get3A_250 : vector<1x1x1x16xi32> to vector<16xi32>
      %shift_left3A_252 = arith.constant 8 : i32
      %shift_left3A_253 = vector.broadcast %shift_left3A_252 : i32 to vector<16xi32>
      %shift_left3A_254 = arith.shli %get3A_251, %shift_left3A_253 : vector<16xi32>
      %add3A_255 = arith.addi %add3A_242, %shift_left3A_254 : vector<16xi32>
      %get3A_256 = arith.constant 2 : i32
      %get3A_257 = arith.constant 2 : i32
      %get3A_258 = arith.constant 0 : i32
      %get3A_259 = arith.index_cast %get3A_256 : i32 to index
      %get3A_260 = arith.index_cast %get3A_257 : i32 to index
      %get3A_261 = arith.index_cast %get3A_258 : i32 to index
      %get3A_262 = arith.index_cast %add3A_202 : i32 to index
      %get3A_263 = tpu.vector_load %arg7[%get3A_259, %get3A_260, %get3A_261, %get3A_262] {strides = array<i32>} : memref<4x3x2x512xi32, #tpu.memory_space<vmem>>, vector<1x1x1x16xi32>,
      %get3A_264 = vector.shape_cast %get3A_263 : vector<1x1x1x16xi32> to vector<16xi32>
      %shift_left3A_265 = arith.constant 7 : i32
      %shift_left3A_266 = vector.broadcast %shift_left3A_265 : i32 to vector<16xi32>
      %shift_left3A_267 = arith.shli %get3A_264, %shift_left3A_266 : vector<16xi32>
      %add3A_268 = arith.addi %add3A_255, %shift_left3A_267 : vector<16xi32>
      %get3A_269 = arith.constant 2 : i32
      %get3A_270 = arith.constant 2 : i32
      %get3A_271 = arith.constant 1 : i32
      %get3A_272 = arith.index_cast %get3A_269 : i32 to index
      %get3A_273 = arith.index_cast %get3A_270 : i32 to index
      %get3A_274 = arith.index_cast %get3A_271 : i32 to index
      %get3A_275 = arith.index_cast %add3A_202 : i32 to index
      %get3A_276 = tpu.vector_load %arg7[%get3A_272, %get3A_273, %get3A_274, %get3A_275] {strides = array<i32>} : memref<4x3x2x512xi32, #tpu.memory_space<vmem>>, vector<1x1x1x16xi32>,
      %get3A_277 = vector.shape_cast %get3A_276 : vector<1x1x1x16xi32> to vector<16xi32>
      %shift_left3A_278 = arith.constant 6 : i32
      %shift_left3A_279 = vector.broadcast %shift_left3A_278 : i32 to vector<16xi32>
      %shift_left3A_280 = arith.shli %get3A_277, %shift_left3A_279 : vector<16xi32>
      %add3A_281 = arith.addi %add3A_268, %shift_left3A_280 : vector<16xi32>
      %get3A_282 = arith.constant 3 : i32
      %get3A_283 = arith.constant 0 : i32
      %get3A_284 = arith.constant 0 : i32
      %get3A_285 = arith.index_cast %get3A_282 : i32 to index
      %get3A_286 = arith.index_cast %get3A_283 : i32 to index
      %get3A_287 = arith.index_cast %get3A_284 : i32 to index
      %get3A_288 = arith.index_cast %add3A_202 : i32 to index
      %get3A_289 = tpu.vector_load %arg7[%get3A_285, %get3A_286, %get3A_287, %get3A_288] {strides = array<i32>} : memref<4x3x2x512xi32, #tpu.memory_space<vmem>>, vector<1x1x1x16xi32>,
      %get3A_290 = vector.shape_cast %get3A_289 : vector<1x1x1x16xi32> to vector<16xi32>
      %shift_left3A_291 = arith.constant 5 : i32
      %shift_left3A_292 = vector.broadcast %shift_left3A_291 : i32 to vector<16xi32>
      %shift_left3A_293 = arith.shli %get3A_290, %shift_left3A_292 : vector<16xi32>
      %add3A_294 = arith.addi %add3A_281, %shift_left3A_293 : vector<16xi32>
      %get3A_295 = arith.constant 3 : i32
      %get3A_296 = arith.constant 0 : i32
      %get3A_297 = arith.constant 1 : i32
      %get3A_298 = arith.index_cast %get3A_295 : i32 to index
      %get3A_299 = arith.index_cast %get3A_296 : i32 to index
      %get3A_300 = arith.index_cast %get3A_297 : i32 to index
      %get3A_301 = arith.index_cast %add3A_202 : i32 to index
      %get3A_302 = tpu.vector_load %arg7[%get3A_298, %get3A_299, %get3A_300, %get3A_301] {strides = array<i32>} : memref<4x3x2x512xi32, #tpu.memory_space<vmem>>, vector<1x1x1x16xi32>,
      %get3A_303 = vector.shape_cast %get3A_302 : vector<1x1x1x16xi32> to vector<16xi32>
      %shift_left3A_304 = arith.constant 4 : i32
      %shift_left3A_305 = vector.broadcast %shift_left3A_304 : i32 to vector<16xi32>
      %shift_left3A_306 = arith.shli %get3A_303, %shift_left3A_305 : vector<16xi32>
      %add3A_307 = arith.addi %add3A_294, %shift_left3A_306 : vector<16xi32>
      %get3A_308 = arith.constant 3 : i32
      %get3A_309 = arith.constant 1 : i32
      %get3A_310 = arith.constant 0 : i32
      %get3A_311 = arith.index_cast %get3A_308 : i32 to index
      %get3A_312 = arith.index_cast %get3A_309 : i32 to index
      %get3A_313 = arith.index_cast %get3A_310 : i32 to index
      %get3A_314 = arith.index_cast %add3A_202 : i32 to index
      %get3A_315 = tpu.vector_load %arg7[%get3A_311, %get3A_312, %get3A_313, %get3A_314] {strides = array<i32>} : memref<4x3x2x512xi32, #tpu.memory_space<vmem>>, vector<1x1x1x16xi32>,
      %get3A_316 = vector.shape_cast %get3A_315 : vector<1x1x1x16xi32> to vector<16xi32>
      %shift_left3A_317 = arith.constant 3 : i32
      %shift_left3A_318 = vector.broadcast %shift_left3A_317 : i32 to vector<16xi32>
      %shift_left3A_319 = arith.shli %get3A_316, %shift_left3A_318 : vector<16xi32>
      %add3A_320 = arith.addi %add3A_307, %shift_left3A_319 : vector<16xi32>
      %get3A_321 = arith.constant 3 : i32
      %get3A_322 = arith.constant 1 : i32
      %get3A_323 = arith.constant 1 : i32
      %get3A_324 = arith.index_cast %get3A_321 : i32 to index
      %get3A_325 = arith.index_cast %get3A_322 : i32 to index
      %get3A_326 = arith.index_cast %get3A_323 : i32 to index
      %get3A_327 = arith.index_cast %add3A_202 : i32 to index
      %get3A_328 = tpu.vector_load %arg7[%get3A_324, %get3A_325, %get3A_326, %get3A_327] {strides = array<i32>} : memref<4x3x2x512xi32, #tpu.memory_space<vmem>>, vector<1x1x1x16xi32>,
      %get3A_329 = vector.shape_cast %get3A_328 : vector<1x1x1x16xi32> to vector<16xi32>
      %shift_left3A_330 = arith.constant 2 : i32
      %shift_left3A_331 = vector.broadcast %shift_left3A_330 : i32 to vector<16xi32>
      %shift_left3A_332 = arith.shli %get3A_329, %shift_left3A_331 : vector<16xi32>
      %add3A_333 = arith.addi %add3A_320, %shift_left3A_332 : vector<16xi32>
      %get3A_334 = arith.constant 3 : i32
      %get3A_335 = arith.constant 2 : i32
      %get3A_336 = arith.constant 0 : i32
      %get3A_337 = arith.index_cast %get3A_334 : i32 to index
      %get3A_338 = arith.index_cast %get3A_335 : i32 to index
      %get3A_339 = arith.index_cast %get3A_336 : i32 to index
      %get3A_340 = arith.index_cast %add3A_202 : i32 to index
      %get3A_341 = tpu.vector_load %arg7[%get3A_337, %get3A_338, %get3A_339, %get3A_340] {strides = array<i32>} : memref<4x3x2x512xi32, #tpu.memory_space<vmem>>, vector<1x1x1x16xi32>,
      %get3A_342 = vector.shape_cast %get3A_341 : vector<1x1x1x16xi32> to vector<16xi32>
      %shift_left3A_343 = arith.constant 1 : i32
      %shift_left3A_344 = vector.broadcast %shift_left3A_343 : i32 to vector<16xi32>
      %shift_left3A_345 = arith.shli %get3A_342, %shift_left3A_344 : vector<16xi32>
      %add3A_346 = arith.addi %add3A_333, %shift_left3A_345 : vector<16xi32>
      %get3A_347 = arith.constant 3 : i32
      %get3A_348 = arith.constant 2 : i32
      %get3A_349 = arith.constant 1 : i32
      %get3A_350 = arith.index_cast %get3A_347 : i32 to index
      %get3A_351 = arith.index_cast %get3A_348 : i32 to index
      %get3A_352 = arith.index_cast %get3A_349 : i32 to index
      %get3A_353 = arith.index_cast %add3A_202 : i32 to index
      %get3A_354 = tpu.vector_load %arg7[%get3A_350, %get3A_351, %get3A_352, %get3A_353] {strides = array<i32>} : memref<4x3x2x512xi32, #tpu.memory_space<vmem>>, vector<1x1x1x16xi32>,
      %get3A_355 = vector.shape_cast %get3A_354 : vector<1x1x1x16xi32> to vector<16xi32>
      %shift_left3A_356 = arith.constant 0 : i32
      %shift_left3A_357 = vector.broadcast %shift_left3A_356 : i32 to vector<16xi32>
      %shift_left3A_358 = arith.shli %get3A_355, %shift_left3A_357 : vector<16xi32>
      %add3A_359 = arith.addi %add3A_346, %shift_left3A_358 : vector<16xi32>
      %swap3A = arith.index_cast %add3A_202 : i32 to index
      %swap3A_360 = tpu.vector_load %arg8[%swap3A] {strides = array<i32>} : memref<512xi32, #tpu.memory_space<vmem>>, vector<16xi32>,
      %swap3A_361 = vector.shape_cast %swap3A_360 : vector<16xi32> to vector<16xi32>
      %swap3A_362 = vector.shape_cast %add3A_359 : vector<16xi32> to vector<16xi32>
      tpu.vector_store %arg8[%swap3A], %swap3A_362 {strides = array<i32>} : memref<512xi32, #tpu.memory_space<vmem>>, vector<16xi32>,
    }
    %scan3A_137 = arith.constant 8 : i32
    %dma_start3A_138 = arith.constant 384 : i32
    %dma_start3A_139 = tpu.memref_slice %arg9[%dma_start3A_138] : memref<512xf32, #tpu.memory_space<vmem>> -> memref<128xf32, #tpu.memory_space<vmem>>
    %dma_start3A_140 = arith.constant 384 : i32
    %dma_start3A_141 = tpu.memref_slice %arg8[%dma_start3A_140] : memref<512xi32, #tpu.memory_space<vmem>> -> memref<128xi32, #tpu.memory_space<vmem>>
    %dma_start3A_142 = arith.constant 0 : i32
    %dma_start3A_143 = tpu.memref_slice %arg3[%dma_start3A_142] : memref<16777216xf32, #tpu.memory_space<hbm>> -> memref<16777216xf32, #tpu.memory_space<hbm>>
    tpu.enqueue_indirect_dma source(%dma_start3A_143 : memref<16777216xf32, #tpu.memory_space<hbm>>) target(%dma_start3A_139 : memref<128xf32, #tpu.memory_space<vmem>>) offsets(%dma_start3A_141 : memref<128xi32, #tpu.memory_space<vmem>>) semaphore(%arg12 : memref<!tpu.dma_semaphore, #tpu.memory_space<semaphore_mem>>)
    %dma_start3A_144 = arith.constant 384 : i32
    %dma_start3A_145 = tpu.memref_slice %arg10[%dma_start3A_144] : memref<512xf32, #tpu.memory_space<vmem>> -> memref<128xf32, #tpu.memory_space<vmem>>
    %dma_start3A_146 = arith.constant 384 : i32
    %dma_start3A_147 = tpu.memref_slice %arg8[%dma_start3A_146] : memref<512xi32, #tpu.memory_space<vmem>> -> memref<128xi32, #tpu.memory_space<vmem>>
    %dma_start3A_148 = arith.constant 0 : i32
    %dma_start3A_149 = tpu.memref_slice %arg4[%dma_start3A_148] : memref<16777216xf32, #tpu.memory_space<hbm>> -> memref<16777216xf32, #tpu.memory_space<hbm>>
    tpu.enqueue_indirect_dma source(%dma_start3A_149 : memref<16777216xf32, #tpu.memory_space<hbm>>) target(%dma_start3A_145 : memref<128xf32, #tpu.memory_space<vmem>>) offsets(%dma_start3A_147 : memref<128xi32, #tpu.memory_space<vmem>>) semaphore(%arg13 : memref<!tpu.dma_semaphore, #tpu.memory_space<semaphore_mem>>)
    %dma_wait3A_150 = arith.constant 0 : i32
    %dma_wait3A_151 = tpu.memref_slice %arg9[%dma_wait3A_150] : memref<512xf32, #tpu.memory_space<vmem>> -> memref<128xf32, #tpu.memory_space<vmem>>
    %dma_wait3A_152 = arith.constant 0 : i32
    %dma_wait3A_153 = tpu.memref_slice %arg8[%dma_wait3A_152] : memref<512xi32, #tpu.memory_space<vmem>> -> memref<128xi32, #tpu.memory_space<vmem>>
    %dma_wait3A_154 = arith.constant 0 : i32
    %dma_wait3A_155 = tpu.memref_slice %arg3[%dma_wait3A_154] : memref<16777216xf32, #tpu.memory_space<hbm>> -> memref<16777216xf32, #tpu.memory_space<hbm>>
    tpu.wait_indirect_dma semaphore(%arg12 : memref<!tpu.dma_semaphore, #tpu.memory_space<semaphore_mem>>) src(%dma_wait3A_155 : memref<16777216xf32, #tpu.memory_space<hbm>>) dst(%dma_wait3A_151 : memref<128xf32, #tpu.memory_space<vmem>>)
    %dma_wait3A_156 = arith.constant 0 : i32
    %dma_wait3A_157 = tpu.memref_slice %arg10[%dma_wait3A_156] : memref<512xf32, #tpu.memory_space<vmem>> -> memref<128xf32, #tpu.memory_space<vmem>>
    %dma_wait3A_158 = arith.constant 0 : i32
    %dma_wait3A_159 = tpu.memref_slice %arg8[%dma_wait3A_158] : memref<512xi32, #tpu.memory_space<vmem>> -> memref<128xi32, #tpu.memory_space<vmem>>
    %dma_wait3A_160 = arith.constant 0 : i32
    %dma_wait3A_161 = tpu.memref_slice %arg4[%dma_wait3A_160] : memref<16777216xf32, #tpu.memory_space<hbm>> -> memref<16777216xf32, #tpu.memory_space<hbm>>
    tpu.wait_indirect_dma semaphore(%arg13 : memref<!tpu.dma_semaphore, #tpu.memory_space<semaphore_mem>>) src(%dma_wait3A_161 : memref<16777216xf32, #tpu.memory_space<hbm>>) dst(%dma_wait3A_157 : memref<128xf32, #tpu.memory_space<vmem>>)
    %dma_wait3A_162 = arith.constant 128 : i32
    %dma_wait3A_163 = tpu.memref_slice %arg9[%dma_wait3A_162] : memref<512xf32, #tpu.memory_space<vmem>> -> memref<128xf32, #tpu.memory_space<vmem>>
    %dma_wait3A_164 = arith.constant 128 : i32
    %dma_wait3A_165 = tpu.memref_slice %arg8[%dma_wait3A_164] : memref<512xi32, #tpu.memory_space<vmem>> -> memref<128xi32, #tpu.memory_space<vmem>>
    %dma_wait3A_166 = arith.constant 0 : i32
    %dma_wait3A_167 = tpu.memref_slice %arg3[%dma_wait3A_166] : memref<16777216xf32, #tpu.memory_space<hbm>> -> memref<16777216xf32, #tpu.memory_space<hbm>>
    tpu.wait_indirect_dma semaphore(%arg12 : memref<!tpu.dma_semaphore, #tpu.memory_space<semaphore_mem>>) src(%dma_wait3A_167 : memref<16777216xf32, #tpu.memory_space<hbm>>) dst(%dma_wait3A_163 : memref<128xf32, #tpu.memory_space<vmem>>)
    %dma_wait3A_168 = arith.constant 128 : i32
    %dma_wait3A_169 = tpu.memref_slice %arg10[%dma_wait3A_168] : memref<512xf32, #tpu.memory_space<vmem>> -> memref<128xf32, #tpu.memory_space<vmem>>
    %dma_wait3A_170 = arith.constant 128 : i32
    %dma_wait3A_171 = tpu.memref_slice %arg8[%dma_wait3A_170] : memref<512xi32, #tpu.memory_space<vmem>> -> memref<128xi32, #tpu.memory_space<vmem>>
    %dma_wait3A_172 = arith.constant 0 : i32
    %dma_wait3A_173 = tpu.memref_slice %arg4[%dma_wait3A_172] : memref<16777216xf32, #tpu.memory_space<hbm>> -> memref<16777216xf32, #tpu.memory_space<hbm>>
    tpu.wait_indirect_dma semaphore(%arg13 : memref<!tpu.dma_semaphore, #tpu.memory_space<semaphore_mem>>) src(%dma_wait3A_173 : memref<16777216xf32, #tpu.memory_space<hbm>>) dst(%dma_wait3A_169 : memref<128xf32, #tpu.memory_space<vmem>>)
    %dma_wait3A_174 = arith.constant 256 : i32
    %dma_wait3A_175 = tpu.memref_slice %arg9[%dma_wait3A_174] : memref<512xf32, #tpu.memory_space<vmem>> -> memref<128xf32, #tpu.memory_space<vmem>>
    %dma_wait3A_176 = arith.constant 256 : i32
    %dma_wait3A_177 = tpu.memref_slice %arg8[%dma_wait3A_176] : memref<512xi32, #tpu.memory_space<vmem>> -> memref<128xi32, #tpu.memory_space<vmem>>
    %dma_wait3A_178 = arith.constant 0 : i32
    %dma_wait3A_179 = tpu.memref_slice %arg3[%dma_wait3A_178] : memref<16777216xf32, #tpu.memory_space<hbm>> -> memref<16777216xf32, #tpu.memory_space<hbm>>
    tpu.wait_indirect_dma semaphore(%arg12 : memref<!tpu.dma_semaphore, #tpu.memory_space<semaphore_mem>>) src(%dma_wait3A_179 : memref<16777216xf32, #tpu.memory_space<hbm>>) dst(%dma_wait3A_175 : memref<128xf32, #tpu.memory_space<vmem>>)
    %dma_wait3A_180 = arith.constant 256 : i32
    %dma_wait3A_181 = tpu.memref_slice %arg10[%dma_wait3A_180] : memref<512xf32, #tpu.memory_space<vmem>> -> memref<128xf32, #tpu.memory_space<vmem>>
    %dma_wait3A_182 = arith.constant 256 : i32
    %dma_wait3A_183 = tpu.memref_slice %arg8[%dma_wait3A_182] : memref<512xi32, #tpu.memory_space<vmem>> -> memref<128xi32, #tpu.memory_space<vmem>>
    %dma_wait3A_184 = arith.constant 0 : i32
    %dma_wait3A_185 = tpu.memref_slice %arg4[%dma_wait3A_184] : memref<16777216xf32, #tpu.memory_space<hbm>> -> memref<16777216xf32, #tpu.memory_space<hbm>>
    tpu.wait_indirect_dma semaphore(%arg13 : memref<!tpu.dma_semaphore, #tpu.memory_space<semaphore_mem>>) src(%dma_wait3A_185 : memref<16777216xf32, #tpu.memory_space<hbm>>) dst(%dma_wait3A_181 : memref<128xf32, #tpu.memory_space<vmem>>)
    %dma_wait3A_186 = arith.constant 384 : i32
    %dma_wait3A_187 = tpu.memref_slice %arg9[%dma_wait3A_186] : memref<512xf32, #tpu.memory_space<vmem>> -> memref<128xf32, #tpu.memory_space<vmem>>
    %dma_wait3A_188 = arith.constant 384 : i32
    %dma_wait3A_189 = tpu.memref_slice %arg8[%dma_wait3A_188] : memref<512xi32, #tpu.memory_space<vmem>> -> memref<128xi32, #tpu.memory_space<vmem>>
    %dma_wait3A_190 = arith.constant 0 : i32
    %dma_wait3A_191 = tpu.memref_slice %arg3[%dma_wait3A_190] : memref<16777216xf32, #tpu.memory_space<hbm>> -> memref<16777216xf32, #tpu.memory_space<hbm>>
    tpu.wait_indirect_dma semaphore(%arg12 : memref<!tpu.dma_semaphore, #tpu.memory_space<semaphore_mem>>) src(%dma_wait3A_191 : memref<16777216xf32, #tpu.memory_space<hbm>>) dst(%dma_wait3A_187 : memref<128xf32, #tpu.memory_space<vmem>>)
    %dma_wait3A_192 = arith.constant 384 : i32
    %dma_wait3A_193 = tpu.memref_slice %arg10[%dma_wait3A_192] : memref<512xf32, #tpu.memory_space<vmem>> -> memref<128xf32, #tpu.memory_space<vmem>>
    %dma_wait3A_194 = arith.constant 384 : i32
    %dma_wait3A_195 = tpu.memref_slice %arg8[%dma_wait3A_194] : memref<512xi32, #tpu.memory_space<vmem>> -> memref<128xi32, #tpu.memory_space<vmem>>
    %dma_wait3A_196 = arith.constant 0 : i32
    %dma_wait3A_197 = tpu.memref_slice %arg4[%dma_wait3A_196] : memref<16777216xf32, #tpu.memory_space<hbm>> -> memref<16777216xf32, #tpu.memory_space<hbm>>
    tpu.wait_indirect_dma semaphore(%arg13 : memref<!tpu.dma_semaphore, #tpu.memory_space<semaphore_mem>>) src(%dma_wait3A_197 : memref<16777216xf32, #tpu.memory_space<hbm>>) dst(%dma_wait3A_193 : memref<128xf32, #tpu.memory_space<vmem>>)
    "tpu.region"() ({
      %run_scoped3A = tpu.sem_alloc : memref<!tpu.dma_semaphore, #tpu.memory_space<semaphore_mem>>
      %dma_start3A_198 = tpu.memref_slice %arg5[%mul3A_2] : memref<16384xf32, #tpu.memory_space<hbm>> -> memref<512xf32, #tpu.memory_space<hbm>>
      %dma_start3A_199 = tpu.memref_slice %arg5[%mul3A_2] : memref<16384xf32, #tpu.memory_space<hbm>> -> memref<512xf32, #tpu.memory_space<hbm>>
      tpu.enqueue_dma source(%arg9 : memref<512xf32, #tpu.memory_space<vmem>>) target(%dma_start3A_199 : memref<512xf32, #tpu.memory_space<hbm>>) target_semaphore(%run_scoped3A : memref<!tpu.dma_semaphore, #tpu.memory_space<semaphore_mem>>)
      %dma_wait3A_200 = tpu.memref_slice %arg5[%mul3A_2] : memref<16384xf32, #tpu.memory_space<hbm>> -> memref<512xf32, #tpu.memory_space<hbm>>
      %dma_wait3A_201 = tpu.memref_slice %arg5[%mul3A_2] : memref<16384xf32, #tpu.memory_space<hbm>> -> memref<512xf32, #tpu.memory_space<hbm>>
      tpu.wait_dma2 semaphore(%run_scoped3A : memref<!tpu.dma_semaphore, #tpu.memory_space<semaphore_mem>>) src(%arg9 : memref<512xf32, #tpu.memory_space<vmem>>) dst(%dma_wait3A_201 : memref<512xf32, #tpu.memory_space<hbm>>)
      tpu.yield
    }) : () -> ()
    "tpu.region"() ({
      %run_scoped3A = tpu.sem_alloc : memref<!tpu.dma_semaphore, #tpu.memory_space<semaphore_mem>>
      %dma_start3A_198 = tpu.memref_slice %arg6[%mul3A_2] : memref<16384xf32, #tpu.memory_space<hbm>> -> memref<512xf32, #tpu.memory_space<hbm>>
      %dma_start3A_199 = tpu.memref_slice %arg6[%mul3A_2] : memref<16384xf32, #tpu.memory_space<hbm>> -> memref<512xf32, #tpu.memory_space<hbm>>
      tpu.enqueue_dma source(%arg10 : memref<512xf32, #tpu.memory_space<vmem>>) target(%dma_start3A_199 : memref<512xf32, #tpu.memory_space<hbm>>) target_semaphore(%run_scoped3A : memref<!tpu.dma_semaphore, #tpu.memory_space<semaphore_mem>>)
      %dma_wait3A_200 = tpu.memref_slice %arg6[%mul3A_2] : memref<16384xf32, #tpu.memory_space<hbm>> -> memref<512xf32, #tpu.memory_space<hbm>>
      %dma_wait3A_201 = tpu.memref_slice %arg6[%mul3A_2] : memref<16384xf32, #tpu.memory_space<hbm>> -> memref<512xf32, #tpu.memory_space<hbm>>
      tpu.wait_dma2 semaphore(%run_scoped3A : memref<!tpu.dma_semaphore, #tpu.memory_space<semaphore_mem>>) src(%arg10 : memref<512xf32, #tpu.memory_space<vmem>>) dst(%dma_wait3A_201 : memref<512xf32, #tpu.memory_space<hbm>>)
      tpu.yield
    }) : () -> ()
    return
  }
}

</mosaic_0001>

<sc_bundles>
// kernel: kernel.3.cloned.1.call-start
scs
__scs_entry_jumppad:
0x0: {  	(pc) =	sbr.rel $0x88, $3  }
0x1: {  	(tag) =	ssettag $0x0;
	lr =	simm.s32 $0x1  }
0x2: {  	[smem:$0x3F9E] =	sst lr;
	_ =	strace $0xD0000000  }
0x3: {  	_ = 	snop  }
0x4: {  	_ = 	snop  }
0x5: {  	_ = 	snop  }
0x6: {  	_ = 	snop  }
0x7: {  	_ = 	snop  }
__scs_overlays_trampoline_lowered:
0x8: {  	[smem:$0x3FAD] =	sst s0  }
0x9: {  	[smem:$0x3FAE] =	sst s1  }
0xa: {  	[smem:$0x3FAF] =	sst s2  }
0xb: {  	[smem:$0x3FB0] =	sst s3  }
0xc: {  	[smem:$0x3FB1] =	sst s4  }
0xd: {  	[smem:$0x3FB2] =	sst s5  }
0xe: {  	[smem:$0x3FB3] =	sst s6  }
0xf: {  	[smem:$0x3FB4] =	sst s7  }
0x10: {  	[smem:$0x3FB5] =	sst s8  }
0x11: {  	[smem:$0x3FB6] =	sst s9;
	s0 =	simm.s32 @!p0 $0x0  }
0x12: {  	s1 =	sld [smem:$0x3F9C];
	s0 =	simm.s32 @p0 $0x1  }
0x13: {  	[smem:$0x3FB7] =	sst s0;
	s0 =	simm.s32 @!p1 $0x0  }
0x14: {  	s2 =	sld [smem:$0x3F9B];
	s0 =	simm.s32 @p1 $0x1  }
0x15: {  	[smem:$0x3FB8] =	sst s0;
	s0 =	simm.s32 @!p2 $0x0  }
0x16: {  	s3 =	sld [smem:$0x3FDB];
	s0 =	simm.s32 @p2 $0x1  }
0x17: {  	s4 =	simm.s32 $0x1BF5;
	[smem:$0x3FBA] =	sst s0  }
0x18: {  	s0 =	sld [smem:$0x3F9D];
	_ =	swait.ge [sflag:s4], $0x0  }
0x19: {  	s7 =	sld [smem:$0x3F9E]  }
0x1a: {  	s8 =	sadd.s32 $0xFFFFE003, lr  }
0x1b: {  	s9 =	sadd.s32 $0xFFFFFEF7, lr;
	s5 =	simm.s32 $0xFFFFFFFF;
	p2 =	slt.u32 s8, $0xFFFFF086  }
0x1c: {  	p1 =	slt.u32 s9, $0xF7A;
	s5 =	simm.s32 @!p2 $0x0  }
0x1d: {  	s5 =	simm.s32 @p1 $0x1;
	p0 =	seq.s32 s7, s2  }
0x1e: {  	s7 =	smul.u32 @!p0 $0xF7A, s2;
	p2 =	seq.s32 @!p0 s5, $0x0  }
0x1f: {  	s9 =	smul.u32 $0xF7A, s1;
	s8 =	simm.s32 @!p0 $0x1BF5;
	p2 =	por !p2, p0  }
0x20: {  	[sflag:s8] =	ssyncset.s32 @!p0 $0xFFFFF086;
	s6 =	sadd.s32 @!p0 s3, s7;
	s7 =	simm.s32 @!p0 $0x108  }
0x21: {  	s3 =	sadd.s32 s3, s9;
	s6 =	sadd.s32 @!p0 $0x88, s6;
	s7 =	simm.s32 @p2 $0x1082  }
0x22: {  	[simem:s7], [sflag:s8] =	dma.local @!p0 [hbm:s6], $0xF7A  }
0x23: {  	s9 =	sor.u32 $0xD0000000, s2;
	s6 =	simm.s32 $0x108;
	_ =	swait.ge @!p0 [sflag:s8], $0x0  }
0x24: {  	s3 =	sadd.s32 $0x88, s3;
	s6 =	simm.s32 @!p1 $0x1082;
	[sflag:s4] =	ssyncset.s32 $0xFFFFF086  }
0x25: {  	[simem:s6], [sflag:s4] =	dma.local [hbm:s3], $0xF7A  }
0x26: {  	[smem:$0x3F9E] =	sst s1;
	(tag) =	ssettag s2;
	_ =	strace s9  }
0x27: {  	s1 =	sld [smem:$0x3FAE]  }
0x28: {  	s2 =	sld [smem:$0x3FAF]  }
0x29: {  	s4 =	sld [smem:$0x3FB1]  }
0x2a: {  	p0 =	seq.s32 s5, $0x0;
	s5 =	sld [smem:$0x3FB2]  }
0x2b: {  	s6 =	sld [smem:$0x3FB3]  }
0x2c: {  	s7 =	sld [smem:$0x3FB4]  }
0x2d: {  	s3 =	simm.s32 $0x108;
	s8 =	sld [smem:$0x3FB5]  }
0x2e: {  	s3 =	simm.s32 @!p0 $0x1082;
	s9 =	sld [smem:$0x3FB6]  }
0x2f: {  	lr =	sadd.s32 s0, s3;
	s0 =	sld [smem:$0x3FAD]  }
0x30: {  	s3 =	sld [smem:$0x3FB0]  }
0x31: {  	[smem:$0x3FB9] =	sst s10  }
0x32: {  	s10 =	sld [smem:$0x3FB7];
	_ =	sdelay $0x3  }
0x33: {  	p0 =	seq.s32 s10, $0x1;
	s10 =	sld [smem:$0x3FB9];
	_ =	sdelay $0x3  }
0x34: {  	[smem:$0x3FB9] =	sst s10  }
0x35: {  	s10 =	sld [smem:$0x3FB8];
	_ =	sdelay $0x3  }
0x36: {  	p1 =	seq.s32 s10, $0x1;
	s10 =	sld [smem:$0x3FB9];
	_ =	sdelay $0x3  }
0x37: {  	[smem:$0x3FB9] =	sst s10  }
0x38: {  	s10 =	sld [smem:$0x3FBA]  }
0x39: {  	_ = 	snop;
	(pc) =	sbr.ind lr, $3  }
0x3a: {  	_ = 	snop  }
0x3b: {  	_ = 	snop  }
0x3c: {  	p2 =	seq.s32 s10, $0x1;
	s10 =	sld [smem:$0x3FB9]  }
0x3d: {  	_ =	shalt  }
0x3e: {  	_ =	shalt  }
0x3f: {  	_ =	shalt  }
0x40: {  	_ =	shalt  }
0x41: {  	_ =	shalt  }
0x42: {  	_ =	shalt  }
0x43: {  	_ =	shalt  }
0x44: {  	_ =	shalt  }
0x45: {  	_ =	shalt  }
0x46: {  	_ =	shalt  }
0x47: {  	_ =	shalt  }
0x48: {  	_ =	shalt  }
0x49: {  	_ =	shalt  }
0x4a: {  	_ =	shalt  }
0x4b: {  	_ =	shalt  }
0x4c: {  	_ =	shalt  }
0x4d: {  	_ =	shalt  }
0x4e: {  	_ =	shalt  }
0x4f: {  	_ =	shalt  }
0x50: {  	_ =	shalt  }
0x51: {  	_ =	shalt  }
0x52: {  	_ =	shalt  }
0x53: {  	_ =	shalt  }
0x54: {  	_ =	shalt  }
0x55: {  	_ =	shalt  }
0x56: {  	_ =	shalt  }
0x57: {  	_ =	shalt  }
0x58: {  	_ =	shalt  }
0x59: {  	_ =	shalt  }
0x5a: {  	_ =	shalt  }
0x5b: {  	_ =	shalt  }
0x5c: {  	_ =	shalt  }
0x5d: {  	_ =	shalt  }
0x5e: {  	_ =	shalt  }
0x5f: {  	_ =	shalt  }
0x60: {  	_ =	shalt  }
0x61: {  	_ =	shalt  }
0x62: {  	_ =	shalt  }
0x63: {  	_ =	shalt  }
0x64: {  	_ =	shalt  }
0x65: {  	_ =	shalt  }
0x66: {  	_ =	shalt  }
0x67: {  	_ =	shalt  }
0x68: {  	_ =	shalt  }
0x69: {  	_ =	shalt  }
0x6a: {  	_ =	shalt  }
0x6b: {  	_ =	shalt  }
0x6c: {  	_ =	shalt  }
0x6d: {  	_ =	shalt  }
0x6e: {  	_ =	shalt  }
0x6f: {  	_ =	shalt  }
0x70: {  	_ =	shalt  }
0x71: {  	_ =	shalt  }
0x72: {  	_ =	shalt  }
0x73: {  	_ =	shalt  }
0x74: {  	_ =	shalt  }
0x75: {  	_ =	shalt  }
0x76: {  	_ =	shalt  }
0x77: {  	_ =	shalt  }
0x78: {  	_ =	shalt  }
0x79: {  	_ =	shalt  }
0x7a: {  	_ =	shalt  }
0x7b: {  	_ =	shalt  }
0x7c: {  	_ =	shalt  }
0x7d: {  	_ =	shalt  }
0x7e: {  	_ =	shalt  }
0x7f: {  	_ =	shalt  }
0x80: {  	_ =	shalt  }
0x81: {  	_ =	shalt  }
0x82: {  	_ =	shalt  }
0x83: {  	_ =	shalt  }
0x84: {  	_ =	shalt  }
0x85: {  	_ =	shalt  }
0x86: {  	_ =	shalt  }
0x87: {  	_ =	shalt  }
.Lfunc_end0:
.L_simem_size_0:
called_computation_lowered:
.L_overlay_start_0:
0x88: {  	s2 =	sld [smem:$0x3FD9]  }
0x89: {  	s3 =	sld [smem:$0x3FFE];
	_ =	sdelay $0x1  }
0x8a: {  	s1 =	srdreg.scid  }
0x8b: {  	s0 =	sand.u32 $0x1, s1  }
0x8c: {  	s17 =	sshll.u32 s0, $0xA;
	s2 =	sadd.s32 s3, s2  }
0x8d: {  	s2 =	sadd.s32 s2, s17  }
0x8e: {  	[smem:$0x3FC5] =	sst s2  }
0x8f: {  	_ = 	snop  }
0x90: {  	s2 =	sld [smem:$0x3FC9]  }
0x91: {  	s18 =	sld [smem:$0x3FC8]  }
0x92: {  	s4 =	sld [smem:$0x3FC7]  }
0x93: {  	s5 =	sld [smem:$0x3FD0];
	(tm) =	ssettm $0x1  }
0x94: {  	s6 =	sld [smem:$0x3FFB];
	_ =	sdelay $0x3  }
0x95: {  	_ =	strace s6  }
0x96: {  	s6 =	sld [smem:$0x3FFC];
	_ =	sdelay $0x3  }
0x97: {  	_ =	strace s6  }
0x98: {  	s6 =	sld [smem:$0x3FFD];
	_ =	sdelay $0x3  }
0x99: {  	_ =	strace s6  }
0x9a: {  	_ =	strace $0x8FFFFFFF  }
0x9b: {  	s19 =	sld [smem:$0x3FDB];
	_ =	sdelay $0x1  }
0x9c: {  	s7 =	simm.s32 $_scs_section_size  }
0x9d: {  	s8 =	simm.s32 $_size__tile_overlayer_lowered;
	s9 =	simm.s32 $_tile_overlayer_lowered  }
0x9e: {  	s22 =	simm.s32 $0x1BFF;
	s21 =	sshll.u32 s9, $0x1;
	s6 =	sadd.s32 s7, s19  }
0x9f: {  	s10 =	simm.s32 $0x0;
	s20 =	sshll.u32 s8, $0x1;
	s8 =	sadd.s32 s21, s6  }
0xa0: {  	[timem:s10], [sflag:s22] =	dma.local [hbm:s8], s20  }
0xa1: {  	_ =	swait.ge [sflag:s22], s20  }
0xa2: {  	s7 =	ssub.s32 $0x0, s20;
	[sflag:s22] =	ssyncset.done $0x0  }
0xa3: {  	[sflag:s22] =	ssyncadd.s32 s7;
	_ =	sdelay $0x1  }
0xa4: {  	s23 =	simm.s32 $0x1B8B  }
0xa5: {  	_ =	swait.ge [sflag:s23], $0x1  }
0xa6: {  	[sflag:s23] =	ssyncset.done $0x0  }
0xa7: {  	s25 =	simm.s32 $0x1B8E;
	s24 =	sld [smem:$0x3FFE];
	[sflag:s23] =	ssyncadd.s32 $0xFFFFFFFF  }
0xa8: {  	s26 =	simm.s32 $execute0_lowered;
	[smem:$0x3FD2] =	sst s25  }
0xa9: {  	s8 =	sshll.u32 s26, $0x1;
	_ =	strace $0x80000046;
	[dreg:$0x1] =	wrdreg $0xFFFFFFFF  }
0xaa: {  	s28 =	simm.s32 $_size_execute0_lowered;
	s6 =	sadd.s32 s6, s8;
	[dreg:$0x0] =	wrdreg $0x0  }
0xab: {  	s8 =	sshll.u32 s28, $0x1;
	[dreg:$0x2] =	wrdreg s6  }
0xac: {  	[dreg:$0x3] =	wrdreg s8  }
0xad: {  	[dreg:$0x4] =	wrdreg $0xC0  }
0xae: {  	_ =	task [dreg:s10], $0x5FFFF  }
0xaf: {  	[dreg:$0x1] =	wrdreg $0xFFFFFFFF  }
0xb0: {  	[dreg:$0x0] =	wrdreg $0x60  }
0xb1: {  	[dreg:$0x2] =	wrdreg s2  }
0xb2: {  	[dreg:$0x3] =	wrdreg s18  }
0xb3: {  	[dreg:$0x4] =	wrdreg s4  }
0xb4: {  	[dreg:$0x5] =	wrdreg s5  }
0xb5: {  	[dreg:$0x6] =	wrdreg s24  }
0xb6: {  	[dreg:$0x7] =	wrdreg $0x9  }
0xb7: {  	_ =	task.clear_ibuf [dreg:s10], $0x8FFFF;
	_ =	strace $0x90000046  }
0xb8: {  	s29 =	simm.s32 $0x9;
	_ =	strace $0x80000048  }
0xb9: {  	_ =	swait.ge [sflag:s29], $0x1  }
0xba: {  	[sflag:s29] =	ssyncadd.s32 $0xFFFFFFFF  }
0xbb: {  	_ =	strace $0x90000048  }
0xbc: {  	_ =	sfence  }
0xbd: {  	s30 =	sld [smem:$0x0];
	_ =	sdelay $0x2  }
0xbe: {  	s31 =	sshll.u32 s1, $0xD;
	s1 =	sshrl.u32 s1, $0x2  }
0xbf: {  	s3 =	sand.u32 $0x4000, s31;
	s1 =	sadd.s32 s1, s30  }
0xc0: {  	s0 =	sor.u32 s3, s0;
	s1 =	sshll.u32 s1, $0x11  }
0xc1: {  	s0 =	sor.u32 s1, s0  }
0xc2: {  	s0 =	sadd.s32 $0x8F2B, s0  }
0xc3: {  	[sflag:s0] =	ssyncadd.remote.s32 $0x1  }
0xc4: {  	_ =	sfence.sel $0xFFFF  }
0xc5: {  	[dreg:$0x0] =	wrdreg $0xFFFFFFFF;
	(pc) =	sbr.abs _section_cstart, $3  }
0xc6: {  	[dreg:$0x1] =	wrdreg $0xFFFFFFFF  }
0xc7: {  	_ =	task.clear_ibuf [dreg:s10], $0x2FFFF;
	_ =	strace $0x9FFFFFFF  }
0xc8: {  	(tm) =	ssettm $0x7FFFFFFF  }
0xc9: {  	_ =	shalt  }
tec
execute0_lowered:
.L_overlay_start_1:
0x0: {  	(tag) =	ssettag $0x1  }
0x1: {  	s0 =	rddreg [dreg:$0x0]  }
0x2: {  	s1 =	rddreg [dreg:$0x1]  }
0x3: {  	s2 =	rddreg [dreg:$0x2]  }
0x4: {  	s3 =	rddreg [dreg:$0x3]  }
0x5: {  	s6 =	rddreg [dreg:$0x4]  }
0x6: {  	s4 =	srdreg.scid;
	s7 =	stileid.u32  }
0x7: {  	s10 =	simm.s32 $0x400;
	s11 =	simm.s32 $0x8000;
	s13 =	simm.s32 $0x1  }
0x8: {  	s14 =	simm.s32 $0x80;
	s15 =	simm.s32 $0x3000;
	s16 =	simm.s32 $0x3200  }
0x9: {  	s17 =	simm.s32 $0x3400;
	s18 =	simm.s32 $0x3080;
	s21 =	simm.s32 $0x3100  }
0xa: {  	s22 =	simm.s32 $0x3300;
	s23 =	simm.s32 $0x3500;
	s28 =	simm.s32 $0x2  }
0xb: {  	s29 =	simm.s32 $0x3;
	s30 =	simm.s32 $0x4;
	s31 =	simm.s32 $0x0  }
0xc: {  	s5 =	sand.u32 $0x1, s4;
	s4 =	simm.s32 $0x0;
	s7 =	sshll.u32 s7, $0xA  }
0xd: {  	s8 =	sshll.u32 s5, $0x9;
	[smem:$0x7FF] =	sst s4;
	s24 =	ssub.s32 $0x2, s5  }
0xe: {  	s7 =	sor.u32 s8, s7;
	_ =	strace $0x80000047;
	s9 =	sshrl.u32 s24, $0x1  }
0xf: {  	s25 =	sshrl.u32 s7, $0x2;
	s7 =	sshrl.u32 s7, $0x3;
	s9 =	ssub.s32 s24, s9  }
0x10: {  	s24 =	simm.s32 $0x3180;
	s5 =	sadd.s32 s0, s25;
	s26 =	sadd.s32 s7, s6  }
0x11: {  	s7 =	sadd.s32 s3, s7;
	s9 =	smax.u32 s9, $0x1;
	s25 =	simm.s32 $0x3380  }
0x12: {  	s6 =	sadd.s32 $0x6000, s5;
	s8 =	sadd.s32 $0xA00, s26;
	s26 =	simm.s32 $0x3580  }
.LBB2_1:
0x13: {  	[tilespmem:s4], [sflag:$0x1] =	stream.strided.gather [hbm4b:s5+s10], $0x1800, s11, s10, $0x38;
	[tilespmem:$0x3600] =	vst v63  }
0x14: {  	s0 =	simm.s32 $0x1800  }
0x15: {  	[tilespmem:s0], [sflag:$0x1] =	stream.strided.gather [hbm4b:s6+s10], $0x1800, s11, s10, $0x38;
	[tilespmem:$0x3600] =	vst v63  }
0x16: {  	_ =	swait.ge [sflag:s13], $0x1800  }
0x17: {  	s19 =	sand.u32 $0x70, s4;
	s3 =	sand.u32 $0x300, s4;
	[sflag:s13] =	ssyncset.done $0x0  }
0x18: {  	s0 =	sor.u32 s19, s3;
	[sflag:s13] =	ssyncadd.s32 $0xFFFFE800  }
0x19: {  	v0 =	vld [tilespmem:s0+$0x0]  }
0x1a: {  	v1 =	vld [tilespmem:s0+$0x80]  }
0x1b: {  	v2 =	vld [tilespmem:s0+$0x400]  }
0x1c: {  	v3 =	vld [tilespmem:s0+$0x480]  }
0x1d: {  	v4 =	vld [tilespmem:s0+$0x800]  }
0x1e: {  	v5 =	vld [tilespmem:s0+$0x880]  }
0x1f: {  	v6 =	vld [tilespmem:s0+$0xC00];
	v0 =	vshll.u32 v0, $0x17;
	v1 =	vshll.u32 v1, $0x16  }
0x20: {  	v50 =	vld [tilespmem:s0+$0xC80];
	v49 =	vshll.u32 v2, $0x15;
	v0 =	vadd.s32 v0, v1  }
0x21: {  	v52 =	vld [tilespmem:s0+$0x1000];
	v51 =	vshll.u32 v3, $0x14;
	v0 =	vadd.s32 v49, v0  }
0x22: {  	v54 =	vld [tilespmem:s0+$0x1080];
	v53 =	vshll.u32 v4, $0x13;
	v0 =	vadd.s32 v51, v0  }
0x23: {  	v56 =	vld [tilespmem:s0+$0x1400];
	v55 =	vshll.u32 v5, $0x12;
	v0 =	vadd.s32 v53, v0  }
0x24: {  	v58 =	vld [tilespmem:s0+$0x1480];
	v57 =	vshll.u32 v6, $0x11;
	v0 =	vadd.s32 v55, v0  }
0x25: {  	v59 =	vshll.u32 v50, $0x10;
	v0 =	vadd.s32 v57, v0  }
0x26: {  	v60 =	vshll.u32 v52, $0xF;
	v0 =	vadd.s32 v59, v0  }
0x27: {  	v61 =	vshll.u32 v54, $0xE;
	v0 =	vadd.s32 v60, v0  }
0x28: {  	v62 =	vshll.u32 v56, $0xD;
	v0 =	vadd.s32 v61, v0  }
0x29: {  	s20 =	simm.s32 $0x10;
	s3 =	simm.s32 $0x20;
	v63 =	vshll.u32 v58, $0xC;
	v0 =	vadd.s32 v62, v0  }
0x2a: {  	s12 =	sand.u32 $0x300, s3;
	s0 =	sand.u32 $0x70, s20;
	v0 =	vadd.s32 v63, v0  }
0x2b: {  	s19 =	simm.s32 $0x20;
	s12 =	sor.u32 s0, s12;
	s0 =	simm.s32 $0x3000;
	[tilespmem:s15+$0x0] =	vst v0  }
.LBB2_2:
0x2c: {  	p0 =	sne.s32 s19, $0x1F0;
	v0 =	vld [tilespmem:s12+$0x0]  }
0x2d: {  	v1 =	vld [tilespmem:s12+$0x80]  }
0x2e: {  	v2 =	vld [tilespmem:s12+$0x400]  }
0x2f: {  	v3 =	vld [tilespmem:s12+$0x480]  }
0x30: {  	v4 =	vld [tilespmem:s12+$0x800]  }
0x31: {  	v5 =	vld [tilespmem:s12+$0x880]  }
0x32: {  	v0 =	vshll.u32 v0, $0x17;
	v1 =	vshll.u32 v1, $0x16;
	v6 =	vld [tilespmem:s12+$0xC00]  }
0x33: {  	v0 =	vadd.s32 v0, v1;
	v1 =	vshll.u32 v2, $0x15;
	v2 =	vld [tilespmem:s12+$0xC80]  }
0x34: {  	v0 =	vadd.s32 v1, v0;
	v1 =	vshll.u32 v3, $0x14;
	v3 =	vld [tilespmem:s12+$0x1000]  }
0x35: {  	v0 =	vadd.s32 v1, v0;
	v1 =	vshll.u32 v4, $0x13;
	v4 =	vld [tilespmem:s12+$0x1080]  }
0x36: {  	v0 =	vadd.s32 v1, v0;
	v1 =	vshll.u32 v5, $0x12;
	v5 =	vld [tilespmem:s12+$0x1400]  }
0x37: {  	v0 =	vadd.s32 v1, v0;
	v1 =	vshll.u32 v6, $0x11;
	v6 =	vld [tilespmem:s12+$0x1480]  }
0x38: {  	v0 =	vadd.s32 v1, v0;
	v1 =	vshll.u32 v2, $0x10  }
0x39: {  	v0 =	vadd.s32 v1, v0;
	v1 =	vshll.u32 v3, $0xF  }
.Ltmp0:
0x3a: {  	v0 =	vadd.s32 v1, v0;
	v1 =	vshll.u32 v4, $0xE;
	(pc) =	sbr.rel @p0 .LBB2_2-.Ltmp0, $4  }
0x3b: {  	v0 =	vadd.s32 v1, v0;
	v1 =	vshll.u32 v5, $0xD  }
0x3c: {  	s3 =	sadd.s32 $0x20, s3;
	v0 =	vadd.s32 v1, v0;
	v1 =	vshll.u32 v6, $0xC  }
0x3d: {  	s0 =	sadd.s32 $0x10, s0;
	s20 =	sand.u32 $0x300, s3;
	s12 =	sand.u32 $0x70, s19;
	v0 =	vadd.s32 v1, v0  }
0x3e: {  	s19 =	sadd.s32 $0x10, s19;
	s12 =	sor.u32 s12, s20;
	[tilespmem:s0+$0x0] =	vst v0  }
0x3f: {  	v0 =	vld [tilespmem:s12+$0x0]  }
0x40: {  	v1 =	vld [tilespmem:s12+$0x80]  }
0x41: {  	v2 =	vld [tilespmem:s12+$0x400]  }
0x42: {  	v3 =	vld [tilespmem:s12+$0x480]  }
0x43: {  	v4 =	vld [tilespmem:s12+$0x800]  }
0x44: {  	v5 =	vld [tilespmem:s12+$0x880]  }
0x45: {  	v6 =	vld [tilespmem:s12+$0xC00];
	v0 =	vshll.u32 v0, $0x17;
	v1 =	vshll.u32 v1, $0x16  }
0x46: {  	v0 =	vadd.s32 v0, v1;
	v1 =	vshll.u32 v2, $0x15;
	v2 =	vld [tilespmem:s12+$0xC80]  }
0x47: {  	v0 =	vadd.s32 v1, v0;
	v1 =	vshll.u32 v3, $0x14;
	v3 =	vld [tilespmem:s12+$0x1000]  }
0x48: {  	v55 =	vld [tilespmem:s12+$0x1080];
	v0 =	vadd.s32 v1, v0;
	v1 =	vshll.u32 v4, $0x13  }
0x49: {  	v56 =	vld [tilespmem:s12+$0x1400];
	v0 =	vadd.s32 v1, v0;
	v1 =	vshll.u32 v5, $0x12  }
0x4a: {  	v57 =	vld [tilespmem:s12+$0x1480];
	v0 =	vadd.s32 v1, v0;
	v1 =	vshll.u32 v6, $0x11  }
0x4b: {  	v0 =	vadd.s32 v1, v0;
	v1 =	vshll.u32 v2, $0x10  }
0x4c: {  	v0 =	vadd.s32 v1, v0;
	v1 =	vshll.u32 v3, $0xF  }
0x4d: {  	v0 =	vadd.s32 v1, v0;
	v1 =	vshll.u32 v55, $0xE  }
0x4e: {  	v0 =	vadd.s32 v1, v0;
	v1 =	vshll.u32 v56, $0xD  }
0x4f: {  	v0 =	vadd.s32 v1, v0;
	v1 =	vshll.u32 v57, $0xC  }
0x50: {  	s0 =	sadd.s32 $0x10, s0;
	v0 =	vadd.s32 v1, v0  }
0x51: {  	[tilespmem:s0+$0x0] =	vst v0  }
0x52: {  	_ =	swait.ge [sflag:s13], $0x1800  }
0x53: {  	[sflag:s13] =	ssyncset.done $0x0  }
0x54: {  	s0 =	simm.s32 $0x0;
	[sflag:s13] =	ssyncadd.s32 $0xFFFFE800  }
0x55: {  	v0 =	vld [tilespmem:s0+$0x1880]  }
0x56: {  	v1 =	vld [tilespmem:s0+$0x1800]  }
0x57: {  	v2 =	vld [tilespmem:s0+$0x3000]  }
0x58: {  	v3 =	vld [tilespmem:s0+$0x1C00]  }
0x59: {  	v58 =	vld [tilespmem:s0+$0x1C80]  }
0x5a: {  	v59 =	vld [tilespmem:s0+$0x2000]  }
0x5b: {  	v60 =	vld [tilespmem:s0+$0x2080];
	v1 =	vshll.u32 v1, $0xB  }
0x5c: {  	v0 =	vshll.u32 v0, $0xA;
	v1 =	vadd.s32 v2, v1;
	v2 =	vld [tilespmem:s0+$0x2400]  }
0x5d: {  	v0 =	vadd.s32 v0, v1;
	v1 =	vshll.u32 v3, $0x9;
	v3 =	vld [tilespmem:s0+$0x2480]  }
0x5e: {  	v61 =	vld [tilespmem:s0+$0x2800];
	v0 =	vadd.s32 v1, v0;
	v1 =	vshll.u32 v58, $0x8  }
0x5f: {  	v62 =	vld [tilespmem:s0+$0x2880];
	v0 =	vadd.s32 v1, v0;
	v1 =	vshll.u32 v59, $0x7  }
0x60: {  	v63 =	vld [tilespmem:s0+$0x2C00];
	v0 =	vadd.s32 v1, v0;
	v1 =	vshll.u32 v60, $0x6  }
0x61: {  	v0 =	vadd.s32 v1, v0;
	v1 =	vshll.u32 v2, $0x5  }
0x62: {  	v2 =	vld [tilespmem:s0+$0x2C80];
	v0 =	vadd.s32 v1, v0;
	v1 =	vshll.u32 v3, $0x4  }
0x63: {  	v0 =	vadd.s32 v1, v0;
	v1 =	vshll.u32 v61, $0x3  }
0x64: {  	v0 =	vadd.s32 v1, v0;
	v1 =	vshll.u32 v62, $0x2  }
0x65: {  	v0 =	vadd.s32 v1, v0;
	v1 =	vshll.u32 v63, $0x1  }
0x66: {  	s12 =	simm.s32 $0x10;
	v1 =	vadd.s32 v1, v0  }
0x67: {  	s3 =	simm.s32 $0x80;
	v0 =	vld [tilespmem:s12+$0x1880];
	v1 =	vadd.s32 v2, v1  }
.LBB2_4:
0x68: {  	p0 =	sne.s32 s3, $0x1C0;
	v2 =	vld [tilespmem:s12+$0x1800];
	[tilespmem:s0+$0x3000] =	vst v1;
	s0 =	smov.u32 s12  }
0x69: {  	v1 =	vld [tilespmem:s0+$0x3000]  }
0x6a: {  	v3 =	vld [tilespmem:s0+$0x1C00]  }
0x6b: {  	v4 =	vld [tilespmem:s0+$0x1C80]  }
0x6c: {  	v5 =	vld [tilespmem:s0+$0x2000]  }
0x6d: {  	v2 =	vshll.u32 v2, $0xB;
	v6 =	vld [tilespmem:s0+$0x2080]  }
0x6e: {  	v0 =	vshll.u32 v0, $0xA;
	v1 =	vadd.s32 v1, v2;
	v2 =	vld [tilespmem:s0+$0x2400]  }
0x6f: {  	v0 =	vadd.s32 v0, v1;
	v1 =	vshll.u32 v3, $0x9;
	v3 =	vld [tilespmem:s0+$0x2480]  }
0x70: {  	v0 =	vadd.s32 v1, v0;
	v1 =	vshll.u32 v4, $0x8;
	v4 =	vld [tilespmem:s0+$0x2800]  }
0x71: {  	v0 =	vadd.s32 v1, v0;
	v1 =	vshll.u32 v5, $0x7;
	v5 =	vld [tilespmem:s0+$0x2880]  }
0x72: {  	v0 =	vadd.s32 v1, v0;
	v1 =	vshll.u32 v6, $0x6;
	v6 =	vld [tilespmem:s0+$0x2C00]  }
0x73: {  	v0 =	vadd.s32 v1, v0;
	v1 =	vshll.u32 v2, $0x5  }
0x74: {  	v0 =	vadd.s32 v1, v0;
	v1 =	vshll.u32 v3, $0x4;
	v2 =	vld [tilespmem:s0+$0x2C80]  }
.Ltmp1:
0x75: {  	v0 =	vadd.s32 v1, v0;
	v1 =	vshll.u32 v4, $0x3;
	(pc) =	sbr.rel @p0 .LBB2_4-.Ltmp1, $4  }
0x76: {  	v0 =	vadd.s32 v1, v0;
	v1 =	vshll.u32 v5, $0x2  }
0x77: {  	v0 =	vadd.s32 v1, v0;
	v1 =	vshll.u32 v6, $0x1  }
0x78: {  	s12 =	sshra.s32 s3, $0x2;
	v1 =	vadd.s32 v1, v0  }
0x79: {  	s3 =	sadd.s32 $0x40, s3;
	v0 =	vld [tilespmem:s12+$0x1880];
	v1 =	vadd.s32 v2, v1  }
0x7a: {  	v2 =	vld [tilespmem:s12+$0x1800];
	[tilespmem:s0+$0x3000] =	vst v1  }
0x7b: {  	v1 =	vld [tilespmem:s12+$0x3000]  }
0x7c: {  	v3 =	vld [tilespmem:s12+$0x1C00]  }
0x7d: {  	v4 =	vld [tilespmem:s12+$0x1C80]  }
0x7e: {  	v5 =	vld [tilespmem:s12+$0x2000]  }
0x7f: {  	v6 =	vld [tilespmem:s12+$0x2080];
	v2 =	vshll.u32 v2, $0xB  }
0x80: {  	v0 =	vshll.u32 v0, $0xA;
	v1 =	vadd.s32 v1, v2;
	v2 =	vld [tilespmem:s12+$0x2400]  }
0x81: {  	v0 =	vadd.s32 v0, v1;
	v1 =	vshll.u32 v3, $0x9;
	v3 =	vld [tilespmem:s12+$0x2480]  }
0x82: {  	v55 =	vld [tilespmem:s12+$0x2800];
	v0 =	vadd.s32 v1, v0;
	v1 =	vshll.u32 v4, $0x8  }
0x83: {  	v56 =	vld [tilespmem:s12+$0x2880];
	v0 =	vadd.s32 v1, v0;
	v1 =	vshll.u32 v5, $0x7  }
0x84: {  	v57 =	vld [tilespmem:s12+$0x2C00];
	v0 =	vadd.s32 v1, v0;
	v1 =	vshll.u32 v6, $0x6  }
0x85: {  	v0 =	vadd.s32 v1, v0;
	v1 =	vshll.u32 v2, $0x5  }
0x86: {  	v2 =	vld [tilespmem:s12+$0x2C80];
	v0 =	vadd.s32 v1, v0;
	v1 =	vshll.u32 v3, $0x4  }
0x87: {  	v0 =	vadd.s32 v1, v0;
	v1 =	vshll.u32 v55, $0x3  }
0x88: {  	v0 =	vadd.s32 v1, v0;
	v1 =	vshll.u32 v56, $0x2  }
0x89: {  	v0 =	vadd.s32 v1, v0;
	v1 =	vshll.u32 v57, $0x1  }
0x8a: {  	v0 =	vadd.s32 v1, v0  }
0x8b: {  	v0 =	vadd.s32 v2, v0  }
0x8c: {  	[tilespmem:s12+$0x3000] =	vst v0  }
0x8d: {  	[tilespmem:s16], [sflag:$0x2] =	stream.indirect.gather [hbm4b:s1+s14], $0x1, s15, s14, $0xb8;
	[tilespmem:$0x3600] =	vst v63  }
0x8e: {  	s0 =	simm.s32 $0x0  }
0x8f: {  	[tilespmem:s17], [sflag:$0x3] =	stream.indirect.gather [hbm4b:s2+s14], $0x1, s15, s14, $0xb8;
	[tilespmem:$0x3600] =	vst v63  }
0x90: {  	v0 =	vld [tilespmem:s0+$0x1980]  }
0x91: {  	v1 =	vld [tilespmem:s0+$0x1900]  }
0x92: {  	v2 =	vld [tilespmem:s0+$0x3080]  }
0x93: {  	v3 =	vld [tilespmem:s0+$0x1D00]  }
0x94: {  	v58 =	vld [tilespmem:s0+$0x1D80]  }
0x95: {  	v59 =	vld [tilespmem:s0+$0x2100]  }
0x96: {  	v60 =	vld [tilespmem:s0+$0x2180];
	v1 =	vshll.u32 v1, $0xB  }
0x97: {  	v0 =	vshll.u32 v0, $0xA;
	v1 =	vadd.s32 v2, v1;
	v2 =	vld [tilespmem:s0+$0x2500]  }
0x98: {  	v0 =	vadd.s32 v0, v1;
	v1 =	vshll.u32 v3, $0x9;
	v3 =	vld [tilespmem:s0+$0x2580]  }
0x99: {  	v61 =	vld [tilespmem:s0+$0x2900];
	v0 =	vadd.s32 v1, v0;
	v1 =	vshll.u32 v58, $0x8  }
0x9a: {  	v62 =	vld [tilespmem:s0+$0x2980];
	v0 =	vadd.s32 v1, v0;
	v1 =	vshll.u32 v59, $0x7  }
0x9b: {  	v63 =	vld [tilespmem:s0+$0x2D00];
	v0 =	vadd.s32 v1, v0;
	v1 =	vshll.u32 v60, $0x6  }
0x9c: {  	v0 =	vadd.s32 v1, v0;
	v1 =	vshll.u32 v2, $0x5  }
0x9d: {  	v2 =	vld [tilespmem:s0+$0x2D80];
	v0 =	vadd.s32 v1, v0;
	v1 =	vshll.u32 v3, $0x4  }
0x9e: {  	v0 =	vadd.s32 v1, v0;
	v1 =	vshll.u32 v61, $0x3  }
0x9f: {  	v0 =	vadd.s32 v1, v0;
	v1 =	vshll.u32 v62, $0x2  }
0xa0: {  	v0 =	vadd.s32 v1, v0;
	v1 =	vshll.u32 v63, $0x1  }
0xa1: {  	s12 =	simm.s32 $0x10;
	v1 =	vadd.s32 v1, v0  }
0xa2: {  	s3 =	simm.s32 $0x80;
	v0 =	vld [tilespmem:s12+$0x1980];
	v1 =	vadd.s32 v2, v1  }
.LBB2_6:
0xa3: {  	p0 =	sne.s32 s3, $0x1C0;
	v2 =	vld [tilespmem:s12+$0x1900];
	[tilespmem:s0+$0x3080] =	vst v1;
	s0 =	smov.u32 s12  }
0xa4: {  	v1 =	vld [tilespmem:s0+$0x3080]  }
0xa5: {  	v3 =	vld [tilespmem:s0+$0x1D00]  }
0xa6: {  	v4 =	vld [tilespmem:s0+$0x1D80]  }
0xa7: {  	v5 =	vld [tilespmem:s0+$0x2100]  }
0xa8: {  	v2 =	vshll.u32 v2, $0xB;
	v6 =	vld [tilespmem:s0+$0x2180]  }
0xa9: {  	v0 =	vshll.u32 v0, $0xA;
	v1 =	vadd.s32 v1, v2;
	v2 =	vld [tilespmem:s0+$0x2500]  }
0xaa: {  	v0 =	vadd.s32 v0, v1;
	v1 =	vshll.u32 v3, $0x9;
	v3 =	vld [tilespmem:s0+$0x2580]  }
0xab: {  	v0 =	vadd.s32 v1, v0;
	v1 =	vshll.u32 v4, $0x8;
	v4 =	vld [tilespmem:s0+$0x2900]  }
0xac: {  	v0 =	vadd.s32 v1, v0;
	v1 =	vshll.u32 v5, $0x7;
	v5 =	vld [tilespmem:s0+$0x2980]  }
0xad: {  	v0 =	vadd.s32 v1, v0;
	v1 =	vshll.u32 v6, $0x6;
	v6 =	vld [tilespmem:s0+$0x2D00]  }
0xae: {  	v0 =	vadd.s32 v1, v0;
	v1 =	vshll.u32 v2, $0x5  }
0xaf: {  	v0 =	vadd.s32 v1, v0;
	v1 =	vshll.u32 v3, $0x4;
	v2 =	vld [tilespmem:s0+$0x2D80]  }
.Ltmp2:
0xb0: {  	v0 =	vadd.s32 v1, v0;
	v1 =	vshll.u32 v4, $0x3;
	(pc) =	sbr.rel @p0 .LBB2_6-.Ltmp2, $4  }
0xb1: {  	v0 =	vadd.s32 v1, v0;
	v1 =	vshll.u32 v5, $0x2  }
0xb2: {  	v0 =	vadd.s32 v1, v0;
	v1 =	vshll.u32 v6, $0x1  }
0xb3: {  	s12 =	sshra.s32 s3, $0x2;
	v1 =	vadd.s32 v1, v0  }
0xb4: {  	s3 =	sadd.s32 $0x40, s3;
	v0 =	vld [tilespmem:s12+$0x1980];
	v1 =	vadd.s32 v2, v1  }
0xb5: {  	v2 =	vld [tilespmem:s12+$0x1900];
	[tilespmem:s0+$0x3080] =	vst v1  }
0xb6: {  	v1 =	vld [tilespmem:s12+$0x3080]  }
0xb7: {  	v3 =	vld [tilespmem:s12+$0x1D00]  }
0xb8: {  	v4 =	vld [tilespmem:s12+$0x1D80]  }
0xb9: {  	v5 =	vld [tilespmem:s12+$0x2100]  }
0xba: {  	v6 =	vld [tilespmem:s12+$0x2180];
	v2 =	vshll.u32 v2, $0xB  }
0xbb: {  	v0 =	vshll.u32 v0, $0xA;
	v1 =	vadd.s32 v1, v2;
	v2 =	vld [tilespmem:s12+$0x2500]  }
0xbc: {  	v0 =	vadd.s32 v0, v1;
	v1 =	vshll.u32 v3, $0x9;
	v3 =	vld [tilespmem:s12+$0x2580]  }
0xbd: {  	v55 =	vld [tilespmem:s12+$0x2900];
	v0 =	vadd.s32 v1, v0;
	v1 =	vshll.u32 v4, $0x8  }
0xbe: {  	v56 =	vld [tilespmem:s12+$0x2980];
	v0 =	vadd.s32 v1, v0;
	v1 =	vshll.u32 v5, $0x7  }
0xbf: {  	v57 =	vld [tilespmem:s12+$0x2D00];
	v0 =	vadd.s32 v1, v0;
	v1 =	vshll.u32 v6, $0x6  }
0xc0: {  	v0 =	vadd.s32 v1, v0;
	v1 =	vshll.u32 v2, $0x5  }
0xc1: {  	v2 =	vld [tilespmem:s12+$0x2D80];
	v0 =	vadd.s32 v1, v0;
	v1 =	vshll.u32 v3, $0x4  }
0xc2: {  	v0 =	vadd.s32 v1, v0;
	v1 =	vshll.u32 v55, $0x3  }
0xc3: {  	v0 =	vadd.s32 v1, v0;
	v1 =	vshll.u32 v56, $0x2  }
0xc4: {  	v0 =	vadd.s32 v1, v0;
	v1 =	vshll.u32 v57, $0x1  }
0xc5: {  	v0 =	vadd.s32 v1, v0  }
0xc6: {  	v0 =	vadd.s32 v2, v0  }
0xc7: {  	s19 =	simm.s32 $0x3280;
	[tilespmem:s12+$0x3080] =	vst v0  }
0xc8: {  	[tilespmem:s19], [sflag:$0x2] =	stream.indirect.gather [hbm4b:s1+s14], $0x1, s18, s14, $0xb8;
	[tilespmem:$0x3600] =	vst v63  }
0xc9: {  	s20 =	simm.s32 $0x3480;
	s0 =	simm.s32 $0x0  }
0xca: {  	[tilespmem:s20], [sflag:$0x3] =	stream.indirect.gather [hbm4b:s2+s14], $0x1, s18, s14, $0xb8;
	[tilespmem:$0x3600] =	vst v63  }
0xcb: {  	v0 =	vld [tilespmem:s0+$0x1A80]  }
0xcc: {  	v1 =	vld [tilespmem:s0+$0x1A00]  }
0xcd: {  	v2 =	vld [tilespmem:s0+$0x3100]  }
0xce: {  	v3 =	vld [tilespmem:s0+$0x1E00]  }
0xcf: {  	v58 =	vld [tilespmem:s0+$0x1E80]  }
0xd0: {  	v59 =	vld [tilespmem:s0+$0x2200]  }
0xd1: {  	v60 =	vld [tilespmem:s0+$0x2280];
	v1 =	vshll.u32 v1, $0xB  }
0xd2: {  	v0 =	vshll.u32 v0, $0xA;
	v1 =	vadd.s32 v2, v1;
	v2 =	vld [tilespmem:s0+$0x2600]  }
0xd3: {  	v0 =	vadd.s32 v0, v1;
	v1 =	vshll.u32 v3, $0x9;
	v3 =	vld [tilespmem:s0+$0x2680]  }
0xd4: {  	v61 =	vld [tilespmem:s0+$0x2A00];
	v0 =	vadd.s32 v1, v0;
	v1 =	vshll.u32 v58, $0x8  }
0xd5: {  	v62 =	vld [tilespmem:s0+$0x2A80];
	v0 =	vadd.s32 v1, v0;
	v1 =	vshll.u32 v59, $0x7  }
0xd6: {  	v63 =	vld [tilespmem:s0+$0x2E00];
	v0 =	vadd.s32 v1, v0;
	v1 =	vshll.u32 v60, $0x6  }
0xd7: {  	v0 =	vadd.s32 v1, v0;
	v1 =	vshll.u32 v2, $0x5  }
0xd8: {  	v2 =	vld [tilespmem:s0+$0x2E80];
	v0 =	vadd.s32 v1, v0;
	v1 =	vshll.u32 v3, $0x4  }
0xd9: {  	v0 =	vadd.s32 v1, v0;
	v1 =	vshll.u32 v61, $0x3  }
0xda: {  	v0 =	vadd.s32 v1, v0;
	v1 =	vshll.u32 v62, $0x2  }
0xdb: {  	v0 =	vadd.s32 v1, v0;
	v1 =	vshll.u32 v63, $0x1  }
0xdc: {  	s12 =	simm.s32 $0x10;
	v1 =	vadd.s32 v1, v0  }
0xdd: {  	s3 =	simm.s32 $0x80;
	v0 =	vld [tilespmem:s12+$0x1A80];
	v1 =	vadd.s32 v2, v1  }
.LBB2_8:
0xde: {  	p0 =	sne.s32 s3, $0x1C0;
	v2 =	vld [tilespmem:s12+$0x1A00];
	[tilespmem:s0+$0x3100] =	vst v1;
	s0 =	smov.u32 s12  }
0xdf: {  	v1 =	vld [tilespmem:s0+$0x3100]  }
0xe0: {  	v3 =	vld [tilespmem:s0+$0x1E00]  }
0xe1: {  	v4 =	vld [tilespmem:s0+$0x1E80]  }
0xe2: {  	v5 =	vld [tilespmem:s0+$0x2200]  }
0xe3: {  	v2 =	vshll.u32 v2, $0xB;
	v6 =	vld [tilespmem:s0+$0x2280]  }
0xe4: {  	v0 =	vshll.u32 v0, $0xA;
	v1 =	vadd.s32 v1, v2;
	v2 =	vld [tilespmem:s0+$0x2600]  }
0xe5: {  	v0 =	vadd.s32 v0, v1;
	v1 =	vshll.u32 v3, $0x9;
	v3 =	vld [tilespmem:s0+$0x2680]  }
0xe6: {  	v0 =	vadd.s32 v1, v0;
	v1 =	vshll.u32 v4, $0x8;
	v4 =	vld [tilespmem:s0+$0x2A00]  }
0xe7: {  	v0 =	vadd.s32 v1, v0;
	v1 =	vshll.u32 v5, $0x7;
	v5 =	vld [tilespmem:s0+$0x2A80]  }
0xe8: {  	v0 =	vadd.s32 v1, v0;
	v1 =	vshll.u32 v6, $0x6;
	v6 =	vld [tilespmem:s0+$0x2E00]  }
0xe9: {  	v0 =	vadd.s32 v1, v0;
	v1 =	vshll.u32 v2, $0x5  }
0xea: {  	v0 =	vadd.s32 v1, v0;
	v1 =	vshll.u32 v3, $0x4;
	v2 =	vld [tilespmem:s0+$0x2E80]  }
.Ltmp3:
0xeb: {  	v0 =	vadd.s32 v1, v0;
	v1 =	vshll.u32 v4, $0x3;
	(pc) =	sbr.rel @p0 .LBB2_8-.Ltmp3, $4  }
0xec: {  	v0 =	vadd.s32 v1, v0;
	v1 =	vshll.u32 v5, $0x2  }
0xed: {  	v0 =	vadd.s32 v1, v0;
	v1 =	vshll.u32 v6, $0x1  }
0xee: {  	s12 =	sshra.s32 s3, $0x2;
	v1 =	vadd.s32 v1, v0  }
0xef: {  	s3 =	sadd.s32 $0x40, s3;
	v0 =	vld [tilespmem:s12+$0x1A80];
	v1 =	vadd.s32 v2, v1  }
0xf0: {  	v2 =	vld [tilespmem:s12+$0x1A00];
	[tilespmem:s0+$0x3100] =	vst v1  }
0xf1: {  	v1 =	vld [tilespmem:s12+$0x3100]  }
0xf2: {  	v3 =	vld [tilespmem:s12+$0x1E00]  }
0xf3: {  	v4 =	vld [tilespmem:s12+$0x1E80]  }
0xf4: {  	v5 =	vld [tilespmem:s12+$0x2200]  }
0xf5: {  	v6 =	vld [tilespmem:s12+$0x2280];
	v2 =	vshll.u32 v2, $0xB  }
0xf6: {  	v0 =	vshll.u32 v0, $0xA;
	v1 =	vadd.s32 v1, v2;
	v2 =	vld [tilespmem:s12+$0x2600]  }
0xf7: {  	v0 =	vadd.s32 v0, v1;
	v1 =	vshll.u32 v3, $0x9;
	v3 =	vld [tilespmem:s12+$0x2680]  }
0xf8: {  	v55 =	vld [tilespmem:s12+$0x2A00];
	v0 =	vadd.s32 v1, v0;
	v1 =	vshll.u32 v4, $0x8  }
0xf9: {  	v56 =	vld [tilespmem:s12+$0x2A80];
	v0 =	vadd.s32 v1, v0;
	v1 =	vshll.u32 v5, $0x7  }
0xfa: {  	v57 =	vld [tilespmem:s12+$0x2E00];
	v0 =	vadd.s32 v1, v0;
	v1 =	vshll.u32 v6, $0x6  }
0xfb: {  	v0 =	vadd.s32 v1, v0;
	v1 =	vshll.u32 v2, $0x5  }
0xfc: {  	v2 =	vld [tilespmem:s12+$0x2E80];
	v0 =	vadd.s32 v1, v0;
	v1 =	vshll.u32 v3, $0x4  }
0xfd: {  	v0 =	vadd.s32 v1, v0;
	v1 =	vshll.u32 v55, $0x3  }
0xfe: {  	v0 =	vadd.s32 v1, v0;
	v1 =	vshll.u32 v56, $0x2  }
0xff: {  	v0 =	vadd.s32 v1, v0;
	v1 =	vshll.u32 v57, $0x1  }
0x100: {  	v0 =	vadd.s32 v1, v0  }
0x101: {  	v0 =	vadd.s32 v2, v0  }
0x102: {  	[tilespmem:s12+$0x3100] =	vst v0  }
0x103: {  	[tilespmem:s22], [sflag:$0x2] =	stream.indirect.gather [hbm4b:s1+s14], $0x1, s21, s14, $0xb8;
	[tilespmem:$0x3600] =	vst v63  }
0x104: {  	s0 =	simm.s32 $0x0  }
0x105: {  	[tilespmem:s23], [sflag:$0x3] =	stream.indirect.gather [hbm4b:s2+s14], $0x1, s21, s14, $0xb8;
	[tilespmem:$0x3600] =	vst v63  }
0x106: {  	v0 =	vld [tilespmem:s0+$0x1B80]  }
0x107: {  	v1 =	vld [tilespmem:s0+$0x1B00]  }
0x108: {  	v2 =	vld [tilespmem:s0+$0x3180]  }
0x109: {  	v3 =	vld [tilespmem:s0+$0x1F00]  }
0x10a: {  	v58 =	vld [tilespmem:s0+$0x1F80]  }
0x10b: {  	v59 =	vld [tilespmem:s0+$0x2300]  }
0x10c: {  	v60 =	vld [tilespmem:s0+$0x2380];
	v1 =	vshll.u32 v1, $0xB  }
0x10d: {  	v0 =	vshll.u32 v0, $0xA;
	v1 =	vadd.s32 v2, v1;
	v2 =	vld [tilespmem:s0+$0x2700]  }
0x10e: {  	v0 =	vadd.s32 v0, v1;
	v1 =	vshll.u32 v3, $0x9;
	v3 =	vld [tilespmem:s0+$0x2780]  }
0x10f: {  	v61 =	vld [tilespmem:s0+$0x2B00];
	v0 =	vadd.s32 v1, v0;
	v1 =	vshll.u32 v58, $0x8  }
0x110: {  	v62 =	vld [tilespmem:s0+$0x2B80];
	v0 =	vadd.s32 v1, v0;
	v1 =	vshll.u32 v59, $0x7  }
0x111: {  	v63 =	vld [tilespmem:s0+$0x2F00];
	v0 =	vadd.s32 v1, v0;
	v1 =	vshll.u32 v60, $0x6  }
0x112: {  	v0 =	vadd.s32 v1, v0;
	v1 =	vshll.u32 v2, $0x5  }
0x113: {  	v2 =	vld [tilespmem:s0+$0x2F80];
	v0 =	vadd.s32 v1, v0;
	v1 =	vshll.u32 v3, $0x4  }
0x114: {  	v0 =	vadd.s32 v1, v0;
	v1 =	vshll.u32 v61, $0x3  }
0x115: {  	v0 =	vadd.s32 v1, v0;
	v1 =	vshll.u32 v62, $0x2  }
0x116: {  	v0 =	vadd.s32 v1, v0;
	v1 =	vshll.u32 v63, $0x1  }
0x117: {  	s12 =	simm.s32 $0x10;
	v1 =	vadd.s32 v1, v0  }
0x118: {  	s3 =	simm.s32 $0x80;
	v0 =	vld [tilespmem:s12+$0x1B80];
	v1 =	vadd.s32 v2, v1  }
.LBB2_10:
0x119: {  	p0 =	sne.s32 s3, $0x1C0;
	v2 =	vld [tilespmem:s12+$0x1B00];
	[tilespmem:s0+$0x3180] =	vst v1;
	s0 =	smov.u32 s12  }
0x11a: {  	v1 =	vld [tilespmem:s0+$0x3180]  }
0x11b: {  	v3 =	vld [tilespmem:s0+$0x1F00]  }
0x11c: {  	v4 =	vld [tilespmem:s0+$0x1F80]  }
0x11d: {  	v5 =	vld [tilespmem:s0+$0x2300]  }
0x11e: {  	v2 =	vshll.u32 v2, $0xB;
	v6 =	vld [tilespmem:s0+$0x2380]  }
0x11f: {  	v0 =	vshll.u32 v0, $0xA;
	v1 =	vadd.s32 v1, v2;
	v2 =	vld [tilespmem:s0+$0x2700]  }
0x120: {  	v0 =	vadd.s32 v0, v1;
	v1 =	vshll.u32 v3, $0x9;
	v3 =	vld [tilespmem:s0+$0x2780]  }
0x121: {  	v0 =	vadd.s32 v1, v0;
	v1 =	vshll.u32 v4, $0x8;
	v4 =	vld [tilespmem:s0+$0x2B00]  }
0x122: {  	v0 =	vadd.s32 v1, v0;
	v1 =	vshll.u32 v5, $0x7;
	v5 =	vld [tilespmem:s0+$0x2B80]  }
0x123: {  	v0 =	vadd.s32 v1, v0;
	v1 =	vshll.u32 v6, $0x6;
	v6 =	vld [tilespmem:s0+$0x2F00]  }
0x124: {  	v0 =	vadd.s32 v1, v0;
	v1 =	vshll.u32 v2, $0x5  }
0x125: {  	v0 =	vadd.s32 v1, v0;
	v1 =	vshll.u32 v3, $0x4;
	v2 =	vld [tilespmem:s0+$0x2F80]  }
.Ltmp4:
0x126: {  	v0 =	vadd.s32 v1, v0;
	v1 =	vshll.u32 v4, $0x3;
	(pc) =	sbr.rel @p0 .LBB2_10-.Ltmp4, $4  }
0x127: {  	v0 =	vadd.s32 v1, v0;
	v1 =	vshll.u32 v5, $0x2  }
0x128: {  	v0 =	vadd.s32 v1, v0;
	v1 =	vshll.u32 v6, $0x1  }
0x129: {  	s12 =	sshra.s32 s3, $0x2;
	v1 =	vadd.s32 v1, v0  }
0x12a: {  	s3 =	sadd.s32 $0x40, s3;
	v0 =	vld [tilespmem:s12+$0x1B80];
	v1 =	vadd.s32 v2, v1  }
0x12b: {  	v2 =	vld [tilespmem:s12+$0x1B00];
	[tilespmem:s0+$0x3180] =	vst v1  }
0x12c: {  	v1 =	vld [tilespmem:s12+$0x3180]  }
0x12d: {  	v3 =	vld [tilespmem:s12+$0x1F00]  }
0x12e: {  	v4 =	vld [tilespmem:s12+$0x1F80]  }
0x12f: {  	v5 =	vld [tilespmem:s12+$0x2300]  }
0x130: {  	v6 =	vld [tilespmem:s12+$0x2380];
	v2 =	vshll.u32 v2, $0xB  }
0x131: {  	v49 =	vld [tilespmem:s12+$0x2700];
	v0 =	vshll.u32 v0, $0xA;
	v1 =	vadd.s32 v1, v2  }
0x132: {  	v51 =	vld [tilespmem:s12+$0x2780];
	v50 =	vshll.u32 v3, $0x9;
	v0 =	vadd.s32 v0, v1  }
0x133: {  	v53 =	vld [tilespmem:s12+$0x2B00];
	v52 =	vshll.u32 v4, $0x8;
	v0 =	vadd.s32 v50, v0  }
0x134: {  	v55 =	vld [tilespmem:s12+$0x2B80];
	v54 =	vshll.u32 v5, $0x7;
	v0 =	vadd.s32 v52, v0  }
0x135: {  	v57 =	vld [tilespmem:s12+$0x2F00];
	v56 =	vshll.u32 v6, $0x6;
	v0 =	vadd.s32 v54, v0  }
0x136: {  	v58 =	vshll.u32 v49, $0x5;
	v0 =	vadd.s32 v56, v0  }
0x137: {  	v60 =	vld [tilespmem:s12+$0x2F80];
	v59 =	vshll.u32 v51, $0x4;
	v0 =	vadd.s32 v58, v0  }
0x138: {  	v61 =	vshll.u32 v53, $0x3;
	v0 =	vadd.s32 v59, v0  }
0x139: {  	v62 =	vshll.u32 v55, $0x2;
	v0 =	vadd.s32 v61, v0  }
0x13a: {  	v63 =	vshll.u32 v57, $0x1;
	v0 =	vadd.s32 v62, v0  }
0x13b: {  	v0 =	vadd.s32 v63, v0  }
0x13c: {  	v0 =	vadd.s32 v60, v0  }
0x13d: {  	[tilespmem:s12+$0x3180] =	vst v0  }
0x13e: {  	[tilespmem:s25], [sflag:$0x2] =	stream.indirect.gather [hbm4b:s1+s14], $0x1, s24, s14, $0xb8;
	[tilespmem:$0x3600] =	vst v63  }
0x13f: {  	_ = 	snop  }
0x140: {  	[tilespmem:s26], [sflag:$0x3] =	stream.indirect.gather [hbm4b:s2+s14], $0x1, s24, s14, $0xb8;
	[tilespmem:$0x3600] =	vst v63  }
0x141: {  	_ =	swait.ge [sflag:s28], $0x80  }
0x142: {  	[sflag:s28] =	ssyncset.done $0x0  }
0x143: {  	[sflag:s28] =	ssyncadd.s32 $0xFFFFFF80  }
0x144: {  	_ =	swait.ge [sflag:s29], $0x80  }
0x145: {  	[sflag:s29] =	ssyncset.done $0x0  }
0x146: {  	[sflag:s29] =	ssyncadd.s32 $0xFFFFFF80  }
0x147: {  	_ =	swait.ge [sflag:s28], $0x80  }
0x148: {  	[sflag:s28] =	ssyncset.done $0x0  }
0x149: {  	[sflag:s28] =	ssyncadd.s32 $0xFFFFFF80  }
0x14a: {  	_ =	swait.ge [sflag:s29], $0x80  }
0x14b: {  	[sflag:s29] =	ssyncset.done $0x0  }
0x14c: {  	[sflag:s29] =	ssyncadd.s32 $0xFFFFFF80  }
0x14d: {  	_ =	swait.ge [sflag:s28], $0x80  }
0x14e: {  	[sflag:s28] =	ssyncset.done $0x0  }
0x14f: {  	[sflag:s28] =	ssyncadd.s32 $0xFFFFFF80  }
0x150: {  	_ =	swait.ge [sflag:s29], $0x80  }
0x151: {  	[sflag:s29] =	ssyncset.done $0x0  }
0x152: {  	[sflag:s29] =	ssyncadd.s32 $0xFFFFFF80  }
0x153: {  	_ =	swait.ge [sflag:s28], $0x80  }
0x154: {  	[sflag:s28] =	ssyncset.done $0x0  }
0x155: {  	[sflag:s28] =	ssyncadd.s32 $0xFFFFFF80  }
0x156: {  	_ =	swait.ge [sflag:s29], $0x80  }
0x157: {  	[sflag:s29] =	ssyncset.done $0x0  }
0x158: {  	[sflag:s29] =	ssyncadd.s32 $0xFFFFFF80  }
0x159: {  	[hbm4b:s7+s4] =	stream.linear.scatter [tilespmem:s16], [sflag:$0x4], $0x200, $0x38;
	[tilespmem:$0x3600] =	vst v63  }
0x15a: {  	s31 =	sadd.s32 $0x1, s31;
	_ =	swait.ge [sflag:s30], $0x200  }
0x15b: {  	p0 =	sne.s32 s31, s9;
	[sflag:s30] =	ssyncset.done $0x0  }
.Ltmp5:
0x15c: {  	[sflag:s30] =	ssyncadd.s32 $0xFFFFFE00;
	(pc) =	sbr.rel @p0 .LBB2_1-.Ltmp5, $4  }
0x15d: {  	[hbm4b:s8+s4] =	stream.linear.scatter [tilespmem:s17], [sflag:$0x4], $0x200, $0x38;
	[tilespmem:$0x3600] =	vst v63  }
0x15e: {  	_ =	swait.ge [sflag:s30], $0x200  }
0x15f: {  	[sflag:s30] =	ssyncset.done $0x0  }
0x160: {  	[sflag:s30] =	ssyncadd.s32 $0xFFFFFE00  }
0x161: {  	_ =	sfence.sel $0x180000  }
0x162: {  	[bflag:$0x0] =	sbarrier.arrive $0xFFFF  }
0x163: {  	_ =	strace $0x90000047  }
0x164: {  	s0 =	stileid.u32;
	[bflag:$0x2] =	sbarrier.arrive $0xFFFF  }
0x165: {  	p0 =	sne.s32 s0, $0x0;
	s0 =	rddreg [dreg:$0x5]  }
0x166: {  	s0 =	sadd.s32 @!p0 $0x100000, s0  }
0x167: {  	[sflag:s0] =	ssyncadd.tile.s32 @!p0 $0x1;
	_ =	shalt  }
.Lfunc_end2:
_tile_overlayer_lowered:
.L_overlay_start_2:
0x168: {  	(tag) =	ssettag $0x2  }
0x169: {  	s0 =	rddreg [dreg:$0x0];
	s2 =	stileid.u32  }
0x16a: {  	s1 =	rddreg [dreg:$0x1];
	p0 =	sne.s32 s2, $0x0  }
0x16b: {  	s3 =	rddreg [dreg:$0x2];
	[bflag:$0x3] =	sbarrier.arrive $0xFFFF;
	s2 =	simm.s32 @!p0 $0x1C04  }
0x16c: {  	[timem:s3], [sflag:s2] =	dma.local @!p0 [hbm:s0], s1  }
0x16d: {  	s0 =	simm.s32 @!p0 $0x4  }
0x16e: {  	_ =	swait.ge @!p0 [sflag:s0], s1  }
0x16f: {  	s1 =	ssub.s32 @!p0 $0x0, s1;
	[sflag:s0] =	ssyncset.done @!p0 $0x0  }
0x170: {  	[sflag:s0] =	ssyncadd.s32 @!p0 s1  }
0x171: {  	[bflag:$0x3] =	sbarrier.arrive $0xFFFF  }
0x172: {  	_ =	shalt  }

</sc_bundles>
